<compile_context>
chip_gen: v7x
topology: tpu7x:2x2x1
jax: 0.10.2.dev20260603
libtpu: 0.0.44.dev20260713+nightly
codegen_flags: <defaults>
</compile_context>

<pallas_src>
import functools
import math

import jax
import jax.numpy as jnp
from jax import lax
from jax.experimental import pallas as pl
from jax.experimental.pallas import tpu as pltpu
from jax.experimental.pallas import tpu_sc as plsc

_NUM_ROOT = 512
_NUM_NONROOT = 7680
_D = 128
_IN_DEGREE = 8
_HID = 2 * _D
_FLAT = _NUM_NONROOT * _IN_DEGREE

_CHUNK = 128
_NBUF = 4


@functools.lru_cache(maxsize=None)
def _make_sc_gather(nw: int, nc: int):
    b_per_w = _FLAT // nw
    n_chunks = b_per_w // _CHUNK
    mesh = plsc.VectorSubcoreMesh(core_axis_name="c", subcore_axis_name="s")

    row_bufs = [pltpu.VMEM((_CHUNK, _D), jnp.float32) for _ in range(_NBUF)]
    gsems = [pltpu.SemaphoreType.DMA for _ in range(_NBUF)]
    ssems = [pltpu.SemaphoreType.DMA for _ in range(_NBUF)]

    @functools.partial(
        pl.kernel,
        out_type=jax.ShapeDtypeStruct((_FLAT, _D), jnp.float32),
        mesh=mesh,
        scratch_types=[
            pltpu.VMEM_SHARED((_NUM_ROOT, _D), jnp.float32),
            pltpu.VMEM((b_per_w,), jnp.int32),
        ]
        + row_bufs
        + gsems
        + ssems,
    )
    def gather(table_hbm, idx_hbm, x_hbm, table_sp, idx_v, *bufs_and_sems):
        rows = bufs_and_sems[:_NBUF]
        gsem = bufs_and_sems[_NBUF : 2 * _NBUF]
        ssem = bufs_and_sems[2 * _NBUF :]
        sid = lax.axis_index("s")
        wid = sid * nc + lax.axis_index("c")
        base = wid * b_per_w

        @pl.when(sid == 0)
        def _():
            pltpu.sync_copy(table_hbm, table_sp)

        pltpu.sync_copy(idx_hbm.at[pl.ds(base, b_per_w)], idx_v)
        plsc.subcore_barrier()

        def fire_gather(c):
            b = c % _NBUF
            return pltpu.async_copy(
                table_sp.at[idx_v.at[pl.ds(c * _CHUNK, _CHUNK)]],
                rows[b],
                gsem[b],
            )

        def fire_scatter(c):
            b = c % _NBUF
            return pltpu.async_copy(
                rows[b],
                x_hbm.at[pl.ds(base + c * _CHUNK, _CHUNK)],
                ssem[b],
            )

        g_pending = [fire_gather(c) for c in range(min(_NBUF, n_chunks))]
        s_pending = [None] * _NBUF
        for c in range(n_chunks):
            b = c % _NBUF
            refill = c - 1 + _NBUF
            if c >= 1 and refill < n_chunks:
                bp = (c - 1) % _NBUF
                s_pending[bp].wait()
                s_pending[bp] = None
                g_pending[bp] = fire_gather(refill)
            g_pending[b].wait()
            s_pending[b] = fire_scatter(c)
        for b in range(_NBUF):
            if s_pending[b] is not None:
                s_pending[b].wait()

    return gather


def _mlp_body(tab_ref, x_ref, w1_ref, b1_ref, w2_ref, b2_ref, o_ref):
    i = pl.program_id(0)

    @pl.when(i == 0)
    def _():
        o_ref[...] = tab_ref[...]

    @pl.when(i > 0)
    def _():
        h = jnp.dot(
            x_ref[...], w1_ref[...], preferred_element_type=jnp.float32
        )
        h = h + b1_ref[...]
        g = 0.5 * h * (1.0 + lax.erf(h * (1.0 / math.sqrt(2.0))))
        o = jnp.dot(g, w2_ref[...], preferred_element_type=jnp.float32)
        o_ref[...] = o + b2_ref[...]


_BLK = 512


def _mlp(table, x, W1, b1, W2, b2):
    n_blk = (_NUM_ROOT + _NUM_NONROOT) // _BLK
    return pl.pallas_call(
        _mlp_body,
        grid=(n_blk,),
        in_specs=[
            pl.BlockSpec((_NUM_ROOT, _D), lambda i: (0, 0)),
            pl.BlockSpec(
                (_BLK, _IN_DEGREE * _D), lambda i: (jnp.maximum(i - 1, 0), 0)
            ),
            pl.BlockSpec((_IN_DEGREE * _D, _HID), lambda i: (0, 0)),
            pl.BlockSpec((1, _HID), lambda i: (0, 0)),
            pl.BlockSpec((_HID, _D), lambda i: (0, 0)),
            pl.BlockSpec((1, _D), lambda i: (0, 0)),
        ],
        out_specs=pl.BlockSpec((_BLK, _D), lambda i: (i, 0)),
        out_shape=jax.ShapeDtypeStruct(
            (_NUM_ROOT + _NUM_NONROOT, _D), jnp.float32
        ),
    )(table, x, W1, b1.reshape(1, _HID), W2, b2.reshape(1, _D))


def kernel(root_node_embeddings, node_inputs_indices, W1, b1, W2, b2):
    info = plsc.get_sparse_core_info()
    nw = info.num_cores * info.num_subcores
    gather = _make_sc_gather(nw, info.num_cores)
    idx_flat = node_inputs_indices.reshape(_FLAT)
    x_flat = gather(root_node_embeddings, idx_flat)
    x = x_flat.reshape(_NUM_NONROOT, _IN_DEGREE * _D)
    return _mlp(root_node_embeddings, x, W1, b1, W2, b2)

# --- scband reference (transcript-rebuilt; emitter-appended) ---
"""Pipeline reference for scband-dagnabbit-auto-encoder-85907935854597 (READ-ONLY COPY).

The authoritative reference and input builder live on the scoring server;
editing this copy changes nothing except your own understanding.
"""

import jax, jax.numpy as jnp
import numpy as np

NUM_ROOT = 512
NUM_NONROOT = 7680
NUM_NODES = NUM_ROOT + NUM_NONROOT
D = 128
IN_DEGREE = 8
HID = 2 * D


def setup_inputs(seed: int = 0) -> dict:
    key = jax.random.key(seed)
    ks = jax.random.split(key, 8)
    root_node_embeddings = jax.random.normal(ks[0], (NUM_ROOT, D), dtype=jnp.float32)
    # parent indices point into the root region -> always causal / in-range
    node_inputs_indices = jax.random.randint(ks[1], (NUM_NONROOT, IN_DEGREE), 0, NUM_ROOT, dtype=jnp.int32)
    # NodeEncoder MLP params: [IN_DEGREE*D -> 2D -> D]
    W1 = jax.random.normal(ks[2], (IN_DEGREE * D, HID), dtype=jnp.float32) * (1.0 / np.sqrt(IN_DEGREE * D))
    b1 = jnp.zeros((HID,), dtype=jnp.float32)
    W2 = jax.random.normal(ks[3], (HID, D), dtype=jnp.float32) * (1.0 / np.sqrt(HID))
    b2 = jnp.zeros((D,), dtype=jnp.float32)
    return {
        "root_node_embeddings": root_node_embeddings,
        "node_inputs_indices": node_inputs_indices,
        "W1": W1, "b1": b1, "W2": W2, "b2": b2,
    }


def reference(root_node_embeddings, node_inputs_indices, W1, b1, W2, b2):
    # DagnabbitAutoEncoder.evaluate_graph: scatter-memory buffer of node embeddings.
    # buffer[:num_root] = root embeddings; then sequentially gather parent rows,
    # encode with NodeEncoder MLP (flatten -> Linear -> GELU -> Linear),
    # and scatter-write the result into the buffer at node_idx.
    buf = jnp.zeros((NUM_NODES, D), dtype=jnp.float32)
    buf = buf.at[:NUM_ROOT].set(root_node_embeddings)
    node_ids = jnp.arange(NUM_ROOT, NUM_NODES, dtype=jnp.int32)

    def step(b, xs):
        node_idx, parent_idx = xs
        parent_embeddings = b[parent_idx]              # gather [IN_DEGREE, D]
        x = parent_embeddings.reshape(-1)              # flatten
        h = jax.nn.gelu(x @ W1 + b1, approximate=False)
        out = h @ W2 + b2                              # [D]
        b = b.at[node_idx].set(out)                    # scatter-overwrite
        return b, None

    buf, _ = jax.lax.scan(step, buf, (node_ids, node_inputs_indices))
    return buf


if False:  # reference __main__ guard neutralized (emitter)
    out = reference(**setup_inputs())
    print(out.shape, out.dtype)

if __name__ == "__main__":
    import jax
    _d = setup_inputs()
    print(jax.jit(kernel)(*tuple(_d.values())))

</pallas_src>

<mosaic_0001>
#map = affine_map<(d0, d1) -> (0, 0)>
#map1 = affine_map<(d0, d1) -> (0)>
module attributes {stable_mosaic.version = 14 : i64} {
  func.func @gather(%arg0: i32, %arg1: i32, %arg2: memref<512x128xf32, #tpu.memory_space<hbm>>, %arg3: memref<61440xi32, #tpu.memory_space<hbm>>, %arg4: memref<61440x128xf32, #tpu.memory_space<hbm>>, %arg5: memref<512x128xf32, #tpu.memory_space<vmem_shared>>, %arg6: memref<1920xi32, #tpu.memory_space<vmem>>, %arg7: memref<128x128xf32, #tpu.memory_space<vmem>>, %arg8: memref<128x128xf32, #tpu.memory_space<vmem>>, %arg9: memref<128x128xf32, #tpu.memory_space<vmem>>, %arg10: memref<128x128xf32, #tpu.memory_space<vmem>>, %arg11: memref<!tpu.dma_semaphore, #tpu.memory_space<semaphore_mem>>, %arg12: memref<!tpu.dma_semaphore, #tpu.memory_space<semaphore_mem>>, %arg13: memref<!tpu.dma_semaphore, #tpu.memory_space<semaphore_mem>>, %arg14: memref<!tpu.dma_semaphore, #tpu.memory_space<semaphore_mem>>, %arg15: memref<!tpu.dma_semaphore, #tpu.memory_space<semaphore_mem>>, %arg16: memref<!tpu.dma_semaphore, #tpu.memory_space<semaphore_mem>>, %arg17: memref<!tpu.dma_semaphore, #tpu.memory_space<semaphore_mem>>, %arg18: memref<!tpu.dma_semaphore, #tpu.memory_space<semaphore_mem>>) attributes {dimension_semantics = [#tpu.dimension_semantics<core_parallel>, #tpu.dimension_semantics<subcore_parallel>], iteration_bounds = array<i64: 2, 16>, scalar_prefetch = 0 : i64, scratch_operands = 14 : i64, tpu.core_type = #tpu.core_type<sc_vector_subcore>, window_params = [{transform_indices = #map}, {transform_indices = #map1}, {transform_indices = #map}]} {
    %mul3A = arith.constant 2 : i32
    %mul3A_0 = arith.muli %arg1, %mul3A : i32
    %add3A = arith.addi %mul3A_0, %arg0 : i32
    %mul3A_1 = arith.constant 1920 : i32
    %mul3A_2 = arith.muli %add3A, %mul3A_1 : i32
    %eq3A = arith.constant 0 : i32
    %eq3A_3 = arith.cmpi eq, %arg1, %eq3A : i32
    %convert_element_type3A = arith.extui %eq3A_3 : i1 to i32
    %cond3A = arith.constant 0 : i32
    %cond3A_4 = arith.cmpi ne, %convert_element_type3A, %cond3A : i32
    scf.if %cond3A_4 {
      "tpu.region"() ({
        %run_scoped3A = tpu.sem_alloc : memref<!tpu.dma_semaphore, #tpu.memory_space<semaphore_mem>>
        tpu.enqueue_dma source(%arg2 : memref<512x128xf32, #tpu.memory_space<hbm>>) target(%arg5 : memref<512x128xf32, #tpu.memory_space<vmem_shared>>) target_semaphore(%run_scoped3A : memref<!tpu.dma_semaphore, #tpu.memory_space<semaphore_mem>>)
        tpu.wait_dma2 semaphore(%run_scoped3A : memref<!tpu.dma_semaphore, #tpu.memory_space<semaphore_mem>>) src(%arg2 : memref<512x128xf32, #tpu.memory_space<hbm>>) dst(%arg5 : memref<512x128xf32, #tpu.memory_space<vmem_shared>>)
        tpu.yield
      }) : () -> ()
    } else {
    }
    "tpu.region"() ({
      %run_scoped3A = tpu.sem_alloc : memref<!tpu.dma_semaphore, #tpu.memory_space<semaphore_mem>>
      %dma_start3A_303 = tpu.memref_slice %arg3[%mul3A_2] : memref<61440xi32, #tpu.memory_space<hbm>> -> memref<1920xi32, #tpu.memory_space<hbm>>
      %dma_start3A_304 = tpu.memref_slice %arg3[%mul3A_2] : memref<61440xi32, #tpu.memory_space<hbm>> -> memref<1920xi32, #tpu.memory_space<hbm>>
      tpu.enqueue_dma source(%dma_start3A_304 : memref<1920xi32, #tpu.memory_space<hbm>>) target(%arg6 : memref<1920xi32, #tpu.memory_space<vmem>>) target_semaphore(%run_scoped3A : memref<!tpu.dma_semaphore, #tpu.memory_space<semaphore_mem>>)
      %dma_wait3A_305 = tpu.memref_slice %arg3[%mul3A_2] : memref<61440xi32, #tpu.memory_space<hbm>> -> memref<1920xi32, #tpu.memory_space<hbm>>
      %dma_wait3A_306 = tpu.memref_slice %arg3[%mul3A_2] : memref<61440xi32, #tpu.memory_space<hbm>> -> memref<1920xi32, #tpu.memory_space<hbm>>
      tpu.wait_dma2 semaphore(%run_scoped3A : memref<!tpu.dma_semaphore, #tpu.memory_space<semaphore_mem>>) src(%dma_wait3A_306 : memref<1920xi32, #tpu.memory_space<hbm>>) dst(%arg6 : memref<1920xi32, #tpu.memory_space<vmem>>)
      tpu.yield
    }) : () -> ()
    %barrier3A = arith.constant 0 : index
    tpu.barrier barrier_id(%barrier3A)
    %dma_start3A = arith.constant 0 : i32
    %dma_start3A_5 = tpu.memref_slice %arg6[%dma_start3A] : memref<1920xi32, #tpu.memory_space<vmem>> -> memref<128xi32, #tpu.memory_space<vmem>>
    %dma_start3A_6 = arith.constant 0 : i32
    %dma_start3A_7 = arith.constant 0 : i32
    %dma_start3A_8 = tpu.memref_slice %arg5[%dma_start3A_6, %dma_start3A_7] : memref<512x128xf32, #tpu.memory_space<vmem_shared>> -> memref<512x128xf32, #tpu.memory_space<vmem_shared>>
    tpu.enqueue_indirect_dma source(%dma_start3A_8 : memref<512x128xf32, #tpu.memory_space<vmem_shared>>) target(%arg7 : memref<128x128xf32, #tpu.memory_space<vmem>>) offsets(%dma_start3A_5 : memref<128xi32, #tpu.memory_space<vmem>>) semaphore(%arg11 : memref<!tpu.dma_semaphore, #tpu.memory_space<semaphore_mem>>)
    %dma_start3A_9 = arith.constant 128 : i32
    %dma_start3A_10 = tpu.memref_slice %arg6[%dma_start3A_9] : memref<1920xi32, #tpu.memory_space<vmem>> -> memref<128xi32, #tpu.memory_space<vmem>>
    %dma_start3A_11 = arith.constant 0 : i32
    %dma_start3A_12 = arith.constant 0 : i32
    %dma_start3A_13 = tpu.memref_slice %arg5[%dma_start3A_11, %dma_start3A_12] : memref<512x128xf32, #tpu.memory_space<vmem_shared>> -> memref<512x128xf32, #tpu.memory_space<vmem_shared>>
    tpu.enqueue_indirect_dma source(%dma_start3A_13 : memref<512x128xf32, #tpu.memory_space<vmem_shared>>) target(%arg8 : memref<128x128xf32, #tpu.memory_space<vmem>>) offsets(%dma_start3A_10 : memref<128xi32, #tpu.memory_space<vmem>>) semaphore(%arg12 : memref<!tpu.dma_semaphore, #tpu.memory_space<semaphore_mem>>)
    %dma_start3A_14 = arith.constant 256 : i32
    %dma_start3A_15 = tpu.memref_slice %arg6[%dma_start3A_14] : memref<1920xi32, #tpu.memory_space<vmem>> -> memref<128xi32, #tpu.memory_space<vmem>>
    %dma_start3A_16 = arith.constant 0 : i32
    %dma_start3A_17 = arith.constant 0 : i32
    %dma_start3A_18 = tpu.memref_slice %arg5[%dma_start3A_16, %dma_start3A_17] : memref<512x128xf32, #tpu.memory_space<vmem_shared>> -> memref<512x128xf32, #tpu.memory_space<vmem_shared>>
    tpu.enqueue_indirect_dma source(%dma_start3A_18 : memref<512x128xf32, #tpu.memory_space<vmem_shared>>) target(%arg9 : memref<128x128xf32, #tpu.memory_space<vmem>>) offsets(%dma_start3A_15 : memref<128xi32, #tpu.memory_space<vmem>>) semaphore(%arg13 : memref<!tpu.dma_semaphore, #tpu.memory_space<semaphore_mem>>)
    %dma_start3A_19 = arith.constant 384 : i32
    %dma_start3A_20 = tpu.memref_slice %arg6[%dma_start3A_19] : memref<1920xi32, #tpu.memory_space<vmem>> -> memref<128xi32, #tpu.memory_space<vmem>>
    %dma_start3A_21 = arith.constant 0 : i32
    %dma_start3A_22 = arith.constant 0 : i32
    %dma_start3A_23 = tpu.memref_slice %arg5[%dma_start3A_21, %dma_start3A_22] : memref<512x128xf32, #tpu.memory_space<vmem_shared>> -> memref<512x128xf32, #tpu.memory_space<vmem_shared>>
    tpu.enqueue_indirect_dma source(%dma_start3A_23 : memref<512x128xf32, #tpu.memory_space<vmem_shared>>) target(%arg10 : memref<128x128xf32, #tpu.memory_space<vmem>>) offsets(%dma_start3A_20 : memref<128xi32, #tpu.memory_space<vmem>>) semaphore(%arg14 : memref<!tpu.dma_semaphore, #tpu.memory_space<semaphore_mem>>)
    %dma_wait3A = arith.constant 0 : i32
    %dma_wait3A_24 = tpu.memref_slice %arg6[%dma_wait3A] : memref<1920xi32, #tpu.memory_space<vmem>> -> memref<128xi32, #tpu.memory_space<vmem>>
    %dma_wait3A_25 = arith.constant 0 : i32
    %dma_wait3A_26 = arith.constant 0 : i32
    %dma_wait3A_27 = tpu.memref_slice %arg5[%dma_wait3A_25, %dma_wait3A_26] : memref<512x128xf32, #tpu.memory_space<vmem_shared>> -> memref<512x128xf32, #tpu.memory_space<vmem_shared>>
    tpu.wait_indirect_dma semaphore(%arg11 : memref<!tpu.dma_semaphore, #tpu.memory_space<semaphore_mem>>) src(%dma_wait3A_27 : memref<512x128xf32, #tpu.memory_space<vmem_shared>>) dst(%arg7 : memref<128x128xf32, #tpu.memory_space<vmem>>)
    %add3A_28 = arith.constant 0 : i32
    %add3A_29 = arith.addi %mul3A_2, %add3A_28 : i32
    %dma_start3A_30 = arith.constant 0 : i32
    %dma_start3A_31 = tpu.memref_slice %arg4[%add3A_29, %dma_start3A_30] : memref<61440x128xf32, #tpu.memory_space<hbm>> -> memref<128x128xf32, #tpu.memory_space<hbm>>
    %dma_start3A_32 = arith.constant 0 : i32
    %dma_start3A_33 = tpu.memref_slice %arg4[%add3A_29, %dma_start3A_32] : memref<61440x128xf32, #tpu.memory_space<hbm>> -> memref<128x128xf32, #tpu.memory_space<hbm>>
    tpu.enqueue_dma source(%arg7 : memref<128x128xf32, #tpu.memory_space<vmem>>) target(%dma_start3A_33 : memref<128x128xf32, #tpu.memory_space<hbm>>) target_semaphore(%arg15 : memref<!tpu.dma_semaphore, #tpu.memory_space<semaphore_mem>>)
    %dma_wait3A_34 = arith.constant 0 : i32
    %dma_wait3A_35 = tpu.memref_slice %arg4[%add3A_29, %dma_wait3A_34] : memref<61440x128xf32, #tpu.memory_space<hbm>> -> memref<128x128xf32, #tpu.memory_space<hbm>>
    %dma_wait3A_36 = arith.constant 0 : i32
    %dma_wait3A_37 = tpu.memref_slice %arg4[%add3A_29, %dma_wait3A_36] : memref<61440x128xf32, #tpu.memory_space<hbm>> -> memref<128x128xf32, #tpu.memory_space<hbm>>
    tpu.wait_dma2 semaphore(%arg15 : memref<!tpu.dma_semaphore, #tpu.memory_space<semaphore_mem>>) src(%arg7 : memref<128x128xf32, #tpu.memory_space<vmem>>) dst(%dma_wait3A_37 : memref<128x128xf32, #tpu.memory_space<hbm>>)
    %dma_start3A_38 = arith.constant 512 : i32
    %dma_start3A_39 = tpu.memref_slice %arg6[%dma_start3A_38] : memref<1920xi32, #tpu.memory_space<vmem>> -> memref<128xi32, #tpu.memory_space<vmem>>
    %dma_start3A_40 = arith.constant 0 : i32
    %dma_start3A_41 = arith.constant 0 : i32
    %dma_start3A_42 = tpu.memref_slice %arg5[%dma_start3A_40, %dma_start3A_41] : memref<512x128xf32, #tpu.memory_space<vmem_shared>> -> memref<512x128xf32, #tpu.memory_space<vmem_shared>>
    tpu.enqueue_indirect_dma source(%dma_start3A_42 : memref<512x128xf32, #tpu.memory_space<vmem_shared>>) target(%arg7 : memref<128x128xf32, #tpu.memory_space<vmem>>) offsets(%dma_start3A_39 : memref<128xi32, #tpu.memory_space<vmem>>) semaphore(%arg11 : memref<!tpu.dma_semaphore, #tpu.memory_space<semaphore_mem>>)
    %dma_wait3A_43 = arith.constant 128 : i32
    %dma_wait3A_44 = tpu.memref_slice %arg6[%dma_wait3A_43] : memref<1920xi32, #tpu.memory_space<vmem>> -> memref<128xi32, #tpu.memory_space<vmem>>
    %dma_wait3A_45 = arith.constant 0 : i32
    %dma_wait3A_46 = arith.constant 0 : i32
    %dma_wait3A_47 = tpu.memref_slice %arg5[%dma_wait3A_45, %dma_wait3A_46] : memref<512x128xf32, #tpu.memory_space<vmem_shared>> -> memref<512x128xf32, #tpu.memory_space<vmem_shared>>
    tpu.wait_indirect_dma semaphore(%arg12 : memref<!tpu.dma_semaphore, #tpu.memory_space<semaphore_mem>>) src(%dma_wait3A_47 : memref<512x128xf32, #tpu.memory_space<vmem_shared>>) dst(%arg8 : memref<128x128xf32, #tpu.memory_space<vmem>>)
    %add3A_48 = arith.constant 128 : i32
    %add3A_49 = arith.addi %mul3A_2, %add3A_48 : i32
    %dma_start3A_50 = arith.constant 0 : i32
    %dma_start3A_51 = tpu.memref_slice %arg4[%add3A_49, %dma_start3A_50] : memref<61440x128xf32, #tpu.memory_space<hbm>> -> memref<128x128xf32, #tpu.memory_space<hbm>>
    %dma_start3A_52 = arith.constant 0 : i32
    %dma_start3A_53 = tpu.memref_slice %arg4[%add3A_49, %dma_start3A_52] : memref<61440x128xf32, #tpu.memory_space<hbm>> -> memref<128x128xf32, #tpu.memory_space<hbm>>
    tpu.enqueue_dma source(%arg8 : memref<128x128xf32, #tpu.memory_space<vmem>>) target(%dma_start3A_53 : memref<128x128xf32, #tpu.memory_space<hbm>>) target_semaphore(%arg16 : memref<!tpu.dma_semaphore, #tpu.memory_space<semaphore_mem>>)
    %dma_wait3A_54 = arith.constant 0 : i32
    %dma_wait3A_55 = tpu.memref_slice %arg4[%add3A_49, %dma_wait3A_54] : memref<61440x128xf32, #tpu.memory_space<hbm>> -> memref<128x128xf32, #tpu.memory_space<hbm>>
    %dma_wait3A_56 = arith.constant 0 : i32
    %dma_wait3A_57 = tpu.memref_slice %arg4[%add3A_49, %dma_wait3A_56] : memref<61440x128xf32, #tpu.memory_space<hbm>> -> memref<128x128xf32, #tpu.memory_space<hbm>>
    tpu.wait_dma2 semaphore(%arg16 : memref<!tpu.dma_semaphore, #tpu.memory_space<semaphore_mem>>) src(%arg8 : memref<128x128xf32, #tpu.memory_space<vmem>>) dst(%dma_wait3A_57 : memref<128x128xf32, #tpu.memory_space<hbm>>)
    %dma_start3A_58 = arith.constant 640 : i32
    %dma_start3A_59 = tpu.memref_slice %arg6[%dma_start3A_58] : memref<1920xi32, #tpu.memory_space<vmem>> -> memref<128xi32, #tpu.memory_space<vmem>>
    %dma_start3A_60 = arith.constant 0 : i32
    %dma_start3A_61 = arith.constant 0 : i32
    %dma_start3A_62 = tpu.memref_slice %arg5[%dma_start3A_60, %dma_start3A_61] : memref<512x128xf32, #tpu.memory_space<vmem_shared>> -> memref<512x128xf32, #tpu.memory_space<vmem_shared>>
    tpu.enqueue_indirect_dma source(%dma_start3A_62 : memref<512x128xf32, #tpu.memory_space<vmem_shared>>) target(%arg8 : memref<128x128xf32, #tpu.memory_space<vmem>>) offsets(%dma_start3A_59 : memref<128xi32, #tpu.memory_space<vmem>>) semaphore(%arg12 : memref<!tpu.dma_semaphore, #tpu.memory_space<semaphore_mem>>)
    %dma_wait3A_63 = arith.constant 256 : i32
    %dma_wait3A_64 = tpu.memref_slice %arg6[%dma_wait3A_63] : memref<1920xi32, #tpu.memory_space<vmem>> -> memref<128xi32, #tpu.memory_space<vmem>>
    %dma_wait3A_65 = arith.constant 0 : i32
    %dma_wait3A_66 = arith.constant 0 : i32
    %dma_wait3A_67 = tpu.memref_slice %arg5[%dma_wait3A_65, %dma_wait3A_66] : memref<512x128xf32, #tpu.memory_space<vmem_shared>> -> memref<512x128xf32, #tpu.memory_space<vmem_shared>>
    tpu.wait_indirect_dma semaphore(%arg13 : memref<!tpu.dma_semaphore, #tpu.memory_space<semaphore_mem>>) src(%dma_wait3A_67 : memref<512x128xf32, #tpu.memory_space<vmem_shared>>) dst(%arg9 : memref<128x128xf32, #tpu.memory_space<vmem>>)
    %add3A_68 = arith.constant 256 : i32
    %add3A_69 = arith.addi %mul3A_2, %add3A_68 : i32
    %dma_start3A_70 = arith.constant 0 : i32
    %dma_start3A_71 = tpu.memref_slice %arg4[%add3A_69, %dma_start3A_70] : memref<61440x128xf32, #tpu.memory_space<hbm>> -> memref<128x128xf32, #tpu.memory_space<hbm>>
    %dma_start3A_72 = arith.constant 0 : i32
    %dma_start3A_73 = tpu.memref_slice %arg4[%add3A_69, %dma_start3A_72] : memref<61440x128xf32, #tpu.memory_space<hbm>> -> memref<128x128xf32, #tpu.memory_space<hbm>>
    tpu.enqueue_dma source(%arg9 : memref<128x128xf32, #tpu.memory_space<vmem>>) target(%dma_start3A_73 : memref<128x128xf32, #tpu.memory_space<hbm>>) target_semaphore(%arg17 : memref<!tpu.dma_semaphore, #tpu.memory_space<semaphore_mem>>)
    %dma_wait3A_74 = arith.constant 0 : i32
    %dma_wait3A_75 = tpu.memref_slice %arg4[%add3A_69, %dma_wait3A_74] : memref<61440x128xf32, #tpu.memory_space<hbm>> -> memref<128x128xf32, #tpu.memory_space<hbm>>
    %dma_wait3A_76 = arith.constant 0 : i32
    %dma_wait3A_77 = tpu.memref_slice %arg4[%add3A_69, %dma_wait3A_76] : memref<61440x128xf32, #tpu.memory_space<hbm>> -> memref<128x128xf32, #tpu.memory_space<hbm>>
    tpu.wait_dma2 semaphore(%arg17 : memref<!tpu.dma_semaphore, #tpu.memory_space<semaphore_mem>>) src(%arg9 : memref<128x128xf32, #tpu.memory_space<vmem>>) dst(%dma_wait3A_77 : memref<128x128xf32, #tpu.memory_space<hbm>>)
    %dma_start3A_78 = arith.constant 768 : i32
    %dma_start3A_79 = tpu.memref_slice %arg6[%dma_start3A_78] : memref<1920xi32, #tpu.memory_space<vmem>> -> memref<128xi32, #tpu.memory_space<vmem>>
    %dma_start3A_80 = arith.constant 0 : i32
    %dma_start3A_81 = arith.constant 0 : i32
    %dma_start3A_82 = tpu.memref_slice %arg5[%dma_start3A_80, %dma_start3A_81] : memref<512x128xf32, #tpu.memory_space<vmem_shared>> -> memref<512x128xf32, #tpu.memory_space<vmem_shared>>
    tpu.enqueue_indirect_dma source(%dma_start3A_82 : memref<512x128xf32, #tpu.memory_space<vmem_shared>>) target(%arg9 : memref<128x128xf32, #tpu.memory_space<vmem>>) offsets(%dma_start3A_79 : memref<128xi32, #tpu.memory_space<vmem>>) semaphore(%arg13 : memref<!tpu.dma_semaphore, #tpu.memory_space<semaphore_mem>>)
    %dma_wait3A_83 = arith.constant 384 : i32
    %dma_wait3A_84 = tpu.memref_slice %arg6[%dma_wait3A_83] : memref<1920xi32, #tpu.memory_space<vmem>> -> memref<128xi32, #tpu.memory_space<vmem>>
    %dma_wait3A_85 = arith.constant 0 : i32
    %dma_wait3A_86 = arith.constant 0 : i32
    %dma_wait3A_87 = tpu.memref_slice %arg5[%dma_wait3A_85, %dma_wait3A_86] : memref<512x128xf32, #tpu.memory_space<vmem_shared>> -> memref<512x128xf32, #tpu.memory_space<vmem_shared>>
    tpu.wait_indirect_dma semaphore(%arg14 : memref<!tpu.dma_semaphore, #tpu.memory_space<semaphore_mem>>) src(%dma_wait3A_87 : memref<512x128xf32, #tpu.memory_space<vmem_shared>>) dst(%arg10 : memref<128x128xf32, #tpu.memory_space<vmem>>)
    %add3A_88 = arith.constant 384 : i32
    %add3A_89 = arith.addi %mul3A_2, %add3A_88 : i32
    %dma_start3A_90 = arith.constant 0 : i32
    %dma_start3A_91 = tpu.memref_slice %arg4[%add3A_89, %dma_start3A_90] : memref<61440x128xf32, #tpu.memory_space<hbm>> -> memref<128x128xf32, #tpu.memory_space<hbm>>
    %dma_start3A_92 = arith.constant 0 : i32
    %dma_start3A_93 = tpu.memref_slice %arg4[%add3A_89, %dma_start3A_92] : memref<61440x128xf32, #tpu.memory_space<hbm>> -> memref<128x128xf32, #tpu.memory_space<hbm>>
    tpu.enqueue_dma source(%arg10 : memref<128x128xf32, #tpu.memory_space<vmem>>) target(%dma_start3A_93 : memref<128x128xf32, #tpu.memory_space<hbm>>) target_semaphore(%arg18 : memref<!tpu.dma_semaphore, #tpu.memory_space<semaphore_mem>>)
    %dma_wait3A_94 = arith.constant 0 : i32
    %dma_wait3A_95 = tpu.memref_slice %arg4[%add3A_89, %dma_wait3A_94] : memref<61440x128xf32, #tpu.memory_space<hbm>> -> memref<128x128xf32, #tpu.memory_space<hbm>>
    %dma_wait3A_96 = arith.constant 0 : i32
    %dma_wait3A_97 = tpu.memref_slice %arg4[%add3A_89, %dma_wait3A_96] : memref<61440x128xf32, #tpu.memory_space<hbm>> -> memref<128x128xf32, #tpu.memory_space<hbm>>
    tpu.wait_dma2 semaphore(%arg18 : memref<!tpu.dma_semaphore, #tpu.memory_space<semaphore_mem>>) src(%arg10 : memref<128x128xf32, #tpu.memory_space<vmem>>) dst(%dma_wait3A_97 : memref<128x128xf32, #tpu.memory_space<hbm>>)
    %dma_start3A_98 = arith.constant 896 : i32
    %dma_start3A_99 = tpu.memref_slice %arg6[%dma_start3A_98] : memref<1920xi32, #tpu.memory_space<vmem>> -> memref<128xi32, #tpu.memory_space<vmem>>
    %dma_start3A_100 = arith.constant 0 : i32
    %dma_start3A_101 = arith.constant 0 : i32
    %dma_start3A_102 = tpu.memref_slice %arg5[%dma_start3A_100, %dma_start3A_101] : memref<512x128xf32, #tpu.memory_space<vmem_shared>> -> memref<512x128xf32, #tpu.memory_space<vmem_shared>>
    tpu.enqueue_indirect_dma source(%dma_start3A_102 : memref<512x128xf32, #tpu.memory_space<vmem_shared>>) target(%arg10 : memref<128x128xf32, #tpu.memory_space<vmem>>) offsets(%dma_start3A_99 : memref<128xi32, #tpu.memory_space<vmem>>) semaphore(%arg14 : memref<!tpu.dma_semaphore, #tpu.memory_space<semaphore_mem>>)
    %dma_wait3A_103 = arith.constant 512 : i32
    %dma_wait3A_104 = tpu.memref_slice %arg6[%dma_wait3A_103] : memref<1920xi32, #tpu.memory_space<vmem>> -> memref<128xi32, #tpu.memory_space<vmem>>
    %dma_wait3A_105 = arith.constant 0 : i32
    %dma_wait3A_106 = arith.constant 0 : i32
    %dma_wait3A_107 = tpu.memref_slice %arg5[%dma_wait3A_105, %dma_wait3A_106] : memref<512x128xf32, #tpu.memory_space<vmem_shared>> -> memref<512x128xf32, #tpu.memory_space<vmem_shared>>
    tpu.wait_indirect_dma semaphore(%arg11 : memref<!tpu.dma_semaphore, #tpu.memory_space<semaphore_mem>>) src(%dma_wait3A_107 : memref<512x128xf32, #tpu.memory_space<vmem_shared>>) dst(%arg7 : memref<128x128xf32, #tpu.memory_space<vmem>>)
    %add3A_108 = arith.constant 512 : i32
    %add3A_109 = arith.addi %mul3A_2, %add3A_108 : i32
    %dma_start3A_110 = arith.constant 0 : i32
    %dma_start3A_111 = tpu.memref_slice %arg4[%add3A_109, %dma_start3A_110] : memref<61440x128xf32, #tpu.memory_space<hbm>> -> memref<128x128xf32, #tpu.memory_space<hbm>>
    %dma_start3A_112 = arith.constant 0 : i32
    %dma_start3A_113 = tpu.memref_slice %arg4[%add3A_109, %dma_start3A_112] : memref<61440x128xf32, #tpu.memory_space<hbm>> -> memref<128x128xf32, #tpu.memory_space<hbm>>
    tpu.enqueue_dma source(%arg7 : memref<128x128xf32, #tpu.memory_space<vmem>>) target(%dma_start3A_113 : memref<128x128xf32, #tpu.memory_space<hbm>>) target_semaphore(%arg15 : memref<!tpu.dma_semaphore, #tpu.memory_space<semaphore_mem>>)
    %dma_wait3A_114 = arith.constant 0 : i32
    %dma_wait3A_115 = tpu.memref_slice %arg4[%add3A_109, %dma_wait3A_114] : memref<61440x128xf32, #tpu.memory_space<hbm>> -> memref<128x128xf32, #tpu.memory_space<hbm>>
    %dma_wait3A_116 = arith.constant 0 : i32
    %dma_wait3A_117 = tpu.memref_slice %arg4[%add3A_109, %dma_wait3A_116] : memref<61440x128xf32, #tpu.memory_space<hbm>> -> memref<128x128xf32, #tpu.memory_space<hbm>>
    tpu.wait_dma2 semaphore(%arg15 : memref<!tpu.dma_semaphore, #tpu.memory_space<semaphore_mem>>) src(%arg7 : memref<128x128xf32, #tpu.memory_space<vmem>>) dst(%dma_wait3A_117 : memref<128x128xf32, #tpu.memory_space<hbm>>)
    %dma_start3A_118 = arith.constant 1024 : i32
    %dma_start3A_119 = tpu.memref_slice %arg6[%dma_start3A_118] : memref<1920xi32, #tpu.memory_space<vmem>> -> memref<128xi32, #tpu.memory_space<vmem>>
    %dma_start3A_120 = arith.constant 0 : i32
    %dma_start3A_121 = arith.constant 0 : i32
    %dma_start3A_122 = tpu.memref_slice %arg5[%dma_start3A_120, %dma_start3A_121] : memref<512x128xf32, #tpu.memory_space<vmem_shared>> -> memref<512x128xf32, #tpu.memory_space<vmem_shared>>
    tpu.enqueue_indirect_dma source(%dma_start3A_122 : memref<512x128xf32, #tpu.memory_space<vmem_shared>>) target(%arg7 : memref<128x128xf32, #tpu.memory_space<vmem>>) offsets(%dma_start3A_119 : memref<128xi32, #tpu.memory_space<vmem>>) semaphore(%arg11 : memref<!tpu.dma_semaphore, #tpu.memory_space<semaphore_mem>>)
    %dma_wait3A_123 = arith.constant 640 : i32
    %dma_wait3A_124 = tpu.memref_slice %arg6[%dma_wait3A_123] : memref<1920xi32, #tpu.memory_space<vmem>> -> memref<128xi32, #tpu.memory_space<vmem>>
    %dma_wait3A_125 = arith.constant 0 : i32
    %dma_wait3A_126 = arith.constant 0 : i32
    %dma_wait3A_127 = tpu.memref_slice %arg5[%dma_wait3A_125, %dma_wait3A_126] : memref<512x128xf32, #tpu.memory_space<vmem_shared>> -> memref<512x128xf32, #tpu.memory_space<vmem_shared>>
    tpu.wait_indirect_dma semaphore(%arg12 : memref<!tpu.dma_semaphore, #tpu.memory_space<semaphore_mem>>) src(%dma_wait3A_127 : memref<512x128xf32, #tpu.memory_space<vmem_shared>>) dst(%arg8 : memref<128x128xf32, #tpu.memory_space<vmem>>)
    %add3A_128 = arith.constant 640 : i32
    %add3A_129 = arith.addi %mul3A_2, %add3A_128 : i32
    %dma_start3A_130 = arith.constant 0 : i32
    %dma_start3A_131 = tpu.memref_slice %arg4[%add3A_129, %dma_start3A_130] : memref<61440x128xf32, #tpu.memory_space<hbm>> -> memref<128x128xf32, #tpu.memory_space<hbm>>
    %dma_start3A_132 = arith.constant 0 : i32
    %dma_start3A_133 = tpu.memref_slice %arg4[%add3A_129, %dma_start3A_132] : memref<61440x128xf32, #tpu.memory_space<hbm>> -> memref<128x128xf32, #tpu.memory_space<hbm>>
    tpu.enqueue_dma source(%arg8 : memref<128x128xf32, #tpu.memory_space<vmem>>) target(%dma_start3A_133 : memref<128x128xf32, #tpu.memory_space<hbm>>) target_semaphore(%arg16 : memref<!tpu.dma_semaphore, #tpu.memory_space<semaphore_mem>>)
    %dma_wait3A_134 = arith.constant 0 : i32
    %dma_wait3A_135 = tpu.memref_slice %arg4[%add3A_129, %dma_wait3A_134] : memref<61440x128xf32, #tpu.memory_space<hbm>> -> memref<128x128xf32, #tpu.memory_space<hbm>>
    %dma_wait3A_136 = arith.constant 0 : i32
    %dma_wait3A_137 = tpu.memref_slice %arg4[%add3A_129, %dma_wait3A_136] : memref<61440x128xf32, #tpu.memory_space<hbm>> -> memref<128x128xf32, #tpu.memory_space<hbm>>
    tpu.wait_dma2 semaphore(%arg16 : memref<!tpu.dma_semaphore, #tpu.memory_space<semaphore_mem>>) src(%arg8 : memref<128x128xf32, #tpu.memory_space<vmem>>) dst(%dma_wait3A_137 : memref<128x128xf32, #tpu.memory_space<hbm>>)
    %dma_start3A_138 = arith.constant 1152 : i32
    %dma_start3A_139 = tpu.memref_slice %arg6[%dma_start3A_138] : memref<1920xi32, #tpu.memory_space<vmem>> -> memref<128xi32, #tpu.memory_space<vmem>>
    %dma_start3A_140 = arith.constant 0 : i32
    %dma_start3A_141 = arith.constant 0 : i32
    %dma_start3A_142 = tpu.memref_slice %arg5[%dma_start3A_140, %dma_start3A_141] : memref<512x128xf32, #tpu.memory_space<vmem_shared>> -> memref<512x128xf32, #tpu.memory_space<vmem_shared>>
    tpu.enqueue_indirect_dma source(%dma_start3A_142 : memref<512x128xf32, #tpu.memory_space<vmem_shared>>) target(%arg8 : memref<128x128xf32, #tpu.memory_space<vmem>>) offsets(%dma_start3A_139 : memref<128xi32, #tpu.memory_space<vmem>>) semaphore(%arg12 : memref<!tpu.dma_semaphore, #tpu.memory_space<semaphore_mem>>)
    %dma_wait3A_143 = arith.constant 768 : i32
    %dma_wait3A_144 = tpu.memref_slice %arg6[%dma_wait3A_143] : memref<1920xi32, #tpu.memory_space<vmem>> -> memref<128xi32, #tpu.memory_space<vmem>>
    %dma_wait3A_145 = arith.constant 0 : i32
    %dma_wait3A_146 = arith.constant 0 : i32
    %dma_wait3A_147 = tpu.memref_slice %arg5[%dma_wait3A_145, %dma_wait3A_146] : memref<512x128xf32, #tpu.memory_space<vmem_shared>> -> memref<512x128xf32, #tpu.memory_space<vmem_shared>>
    tpu.wait_indirect_dma semaphore(%arg13 : memref<!tpu.dma_semaphore, #tpu.memory_space<semaphore_mem>>) src(%dma_wait3A_147 : memref<512x128xf32, #tpu.memory_space<vmem_shared>>) dst(%arg9 : memref<128x128xf32, #tpu.memory_space<vmem>>)
    %add3A_148 = arith.constant 768 : i32
    %add3A_149 = arith.addi %mul3A_2, %add3A_148 : i32
    %dma_start3A_150 = arith.constant 0 : i32
    %dma_start3A_151 = tpu.memref_slice %arg4[%add3A_149, %dma_start3A_150] : memref<61440x128xf32, #tpu.memory_space<hbm>> -> memref<128x128xf32, #tpu.memory_space<hbm>>
    %dma_start3A_152 = arith.constant 0 : i32
    %dma_start3A_153 = tpu.memref_slice %arg4[%add3A_149, %dma_start3A_152] : memref<61440x128xf32, #tpu.memory_space<hbm>> -> memref<128x128xf32, #tpu.memory_space<hbm>>
    tpu.enqueue_dma source(%arg9 : memref<128x128xf32, #tpu.memory_space<vmem>>) target(%dma_start3A_153 : memref<128x128xf32, #tpu.memory_space<hbm>>) target_semaphore(%arg17 : memref<!tpu.dma_semaphore, #tpu.memory_space<semaphore_mem>>)
    %dma_wait3A_154 = arith.constant 0 : i32
    %dma_wait3A_155 = tpu.memref_slice %arg4[%add3A_149, %dma_wait3A_154] : memref<61440x128xf32, #tpu.memory_space<hbm>> -> memref<128x128xf32, #tpu.memory_space<hbm>>
    %dma_wait3A_156 = arith.constant 0 : i32
    %dma_wait3A_157 = tpu.memref_slice %arg4[%add3A_149, %dma_wait3A_156] : memref<61440x128xf32, #tpu.memory_space<hbm>> -> memref<128x128xf32, #tpu.memory_space<hbm>>
    tpu.wait_dma2 semaphore(%arg17 : memref<!tpu.dma_semaphore, #tpu.memory_space<semaphore_mem>>) src(%arg9 : memref<128x128xf32, #tpu.memory_space<vmem>>) dst(%dma_wait3A_157 : memref<128x128xf32, #tpu.memory_space<hbm>>)
    %dma_start3A_158 = arith.constant 1280 : i32
    %dma_start3A_159 = tpu.memref_slice %arg6[%dma_start3A_158] : memref<1920xi32, #tpu.memory_space<vmem>> -> memref<128xi32, #tpu.memory_space<vmem>>
    %dma_start3A_160 = arith.constant 0 : i32
    %dma_start3A_161 = arith.constant 0 : i32
    %dma_start3A_162 = tpu.memref_slice %arg5[%dma_start3A_160, %dma_start3A_161] : memref<512x128xf32, #tpu.memory_space<vmem_shared>> -> memref<512x128xf32, #tpu.memory_space<vmem_shared>>
    tpu.enqueue_indirect_dma source(%dma_start3A_162 : memref<512x128xf32, #tpu.memory_space<vmem_shared>>) target(%arg9 : memref<128x128xf32, #tpu.memory_space<vmem>>) offsets(%dma_start3A_159 : memref<128xi32, #tpu.memory_space<vmem>>) semaphore(%arg13 : memref<!tpu.dma_semaphore, #tpu.memory_space<semaphore_mem>>)
    %dma_wait3A_163 = arith.constant 896 : i32
    %dma_wait3A_164 = tpu.memref_slice %arg6[%dma_wait3A_163] : memref<1920xi32, #tpu.memory_space<vmem>> -> memref<128xi32, #tpu.memory_space<vmem>>
    %dma_wait3A_165 = arith.constant 0 : i32
    %dma_wait3A_166 = arith.constant 0 : i32
    %dma_wait3A_167 = tpu.memref_slice %arg5[%dma_wait3A_165, %dma_wait3A_166] : memref<512x128xf32, #tpu.memory_space<vmem_shared>> -> memref<512x128xf32, #tpu.memory_space<vmem_shared>>
    tpu.wait_indirect_dma semaphore(%arg14 : memref<!tpu.dma_semaphore, #tpu.memory_space<semaphore_mem>>) src(%dma_wait3A_167 : memref<512x128xf32, #tpu.memory_space<vmem_shared>>) dst(%arg10 : memref<128x128xf32, #tpu.memory_space<vmem>>)
    %add3A_168 = arith.constant 896 : i32
    %add3A_169 = arith.addi %mul3A_2, %add3A_168 : i32
    %dma_start3A_170 = arith.constant 0 : i32
    %dma_start3A_171 = tpu.memref_slice %arg4[%add3A_169, %dma_start3A_170] : memref<61440x128xf32, #tpu.memory_space<hbm>> -> memref<128x128xf32, #tpu.memory_space<hbm>>
    %dma_start3A_172 = arith.constant 0 : i32
    %dma_start3A_173 = tpu.memref_slice %arg4[%add3A_169, %dma_start3A_172] : memref<61440x128xf32, #tpu.memory_space<hbm>> -> memref<128x128xf32, #tpu.memory_space<hbm>>
    tpu.enqueue_dma source(%arg10 : memref<128x128xf32, #tpu.memory_space<vmem>>) target(%dma_start3A_173 : memref<128x128xf32, #tpu.memory_space<hbm>>) target_semaphore(%arg18 : memref<!tpu.dma_semaphore, #tpu.memory_space<semaphore_mem>>)
    %dma_wait3A_174 = arith.constant 0 : i32
    %dma_wait3A_175 = tpu.memref_slice %arg4[%add3A_169, %dma_wait3A_174] : memref<61440x128xf32, #tpu.memory_space<hbm>> -> memref<128x128xf32, #tpu.memory_space<hbm>>
    %dma_wait3A_176 = arith.constant 0 : i32
    %dma_wait3A_177 = tpu.memref_slice %arg4[%add3A_169, %dma_wait3A_176] : memref<61440x128xf32, #tpu.memory_space<hbm>> -> memref<128x128xf32, #tpu.memory_space<hbm>>
    tpu.wait_dma2 semaphore(%arg18 : memref<!tpu.dma_semaphore, #tpu.memory_space<semaphore_mem>>) src(%arg10 : memref<128x128xf32, #tpu.memory_space<vmem>>) dst(%dma_wait3A_177 : memref<128x128xf32, #tpu.memory_space<hbm>>)
    %dma_start3A_178 = arith.constant 1408 : i32
    %dma_start3A_179 = tpu.memref_slice %arg6[%dma_start3A_178] : memref<1920xi32, #tpu.memory_space<vmem>> -> memref<128xi32, #tpu.memory_space<vmem>>
    %dma_start3A_180 = arith.constant 0 : i32
    %dma_start3A_181 = arith.constant 0 : i32
    %dma_start3A_182 = tpu.memref_slice %arg5[%dma_start3A_180, %dma_start3A_181] : memref<512x128xf32, #tpu.memory_space<vmem_shared>> -> memref<512x128xf32, #tpu.memory_space<vmem_shared>>
    tpu.enqueue_indirect_dma source(%dma_start3A_182 : memref<512x128xf32, #tpu.memory_space<vmem_shared>>) target(%arg10 : memref<128x128xf32, #tpu.memory_space<vmem>>) offsets(%dma_start3A_179 : memref<128xi32, #tpu.memory_space<vmem>>) semaphore(%arg14 : memref<!tpu.dma_semaphore, #tpu.memory_space<semaphore_mem>>)
    %dma_wait3A_183 = arith.constant 1024 : i32
    %dma_wait3A_184 = tpu.memref_slice %arg6[%dma_wait3A_183] : memref<1920xi32, #tpu.memory_space<vmem>> -> memref<128xi32, #tpu.memory_space<vmem>>
    %dma_wait3A_185 = arith.constant 0 : i32
    %dma_wait3A_186 = arith.constant 0 : i32
    %dma_wait3A_187 = tpu.memref_slice %arg5[%dma_wait3A_185, %dma_wait3A_186] : memref<512x128xf32, #tpu.memory_space<vmem_shared>> -> memref<512x128xf32, #tpu.memory_space<vmem_shared>>
    tpu.wait_indirect_dma semaphore(%arg11 : memref<!tpu.dma_semaphore, #tpu.memory_space<semaphore_mem>>) src(%dma_wait3A_187 : memref<512x128xf32, #tpu.memory_space<vmem_shared>>) dst(%arg7 : memref<128x128xf32, #tpu.memory_space<vmem>>)
    %add3A_188 = arith.constant 1024 : i32
    %add3A_189 = arith.addi %mul3A_2, %add3A_188 : i32
    %dma_start3A_190 = arith.constant 0 : i32
    %dma_start3A_191 = tpu.memref_slice %arg4[%add3A_189, %dma_start3A_190] : memref<61440x128xf32, #tpu.memory_space<hbm>> -> memref<128x128xf32, #tpu.memory_space<hbm>>
    %dma_start3A_192 = arith.constant 0 : i32
    %dma_start3A_193 = tpu.memref_slice %arg4[%add3A_189, %dma_start3A_192] : memref<61440x128xf32, #tpu.memory_space<hbm>> -> memref<128x128xf32, #tpu.memory_space<hbm>>
    tpu.enqueue_dma source(%arg7 : memref<128x128xf32, #tpu.memory_space<vmem>>) target(%dma_start3A_193 : memref<128x128xf32, #tpu.memory_space<hbm>>) target_semaphore(%arg15 : memref<!tpu.dma_semaphore, #tpu.memory_space<semaphore_mem>>)
    %dma_wait3A_194 = arith.constant 0 : i32
    %dma_wait3A_195 = tpu.memref_slice %arg4[%add3A_189, %dma_wait3A_194] : memref<61440x128xf32, #tpu.memory_space<hbm>> -> memref<128x128xf32, #tpu.memory_space<hbm>>
    %dma_wait3A_196 = arith.constant 0 : i32
    %dma_wait3A_197 = tpu.memref_slice %arg4[%add3A_189, %dma_wait3A_196] : memref<61440x128xf32, #tpu.memory_space<hbm>> -> memref<128x128xf32, #tpu.memory_space<hbm>>
    tpu.wait_dma2 semaphore(%arg15 : memref<!tpu.dma_semaphore, #tpu.memory_space<semaphore_mem>>) src(%arg7 : memref<128x128xf32, #tpu.memory_space<vmem>>) dst(%dma_wait3A_197 : memref<128x128xf32, #tpu.memory_space<hbm>>)
    %dma_start3A_198 = arith.constant 1536 : i32
    %dma_start3A_199 = tpu.memref_slice %arg6[%dma_start3A_198] : memref<1920xi32, #tpu.memory_space<vmem>> -> memref<128xi32, #tpu.memory_space<vmem>>
    %dma_start3A_200 = arith.constant 0 : i32
    %dma_start3A_201 = arith.constant 0 : i32
    %dma_start3A_202 = tpu.memref_slice %arg5[%dma_start3A_200, %dma_start3A_201] : memref<512x128xf32, #tpu.memory_space<vmem_shared>> -> memref<512x128xf32, #tpu.memory_space<vmem_shared>>
    tpu.enqueue_indirect_dma source(%dma_start3A_202 : memref<512x128xf32, #tpu.memory_space<vmem_shared>>) target(%arg7 : memref<128x128xf32, #tpu.memory_space<vmem>>) offsets(%dma_start3A_199 : memref<128xi32, #tpu.memory_space<vmem>>) semaphore(%arg11 : memref<!tpu.dma_semaphore, #tpu.memory_space<semaphore_mem>>)
    %dma_wait3A_203 = arith.constant 1152 : i32
    %dma_wait3A_204 = tpu.memref_slice %arg6[%dma_wait3A_203] : memref<1920xi32, #tpu.memory_space<vmem>> -> memref<128xi32, #tpu.memory_space<vmem>>
    %dma_wait3A_205 = arith.constant 0 : i32
    %dma_wait3A_206 = arith.constant 0 : i32
    %dma_wait3A_207 = tpu.memref_slice %arg5[%dma_wait3A_205, %dma_wait3A_206] : memref<512x128xf32, #tpu.memory_space<vmem_shared>> -> memref<512x128xf32, #tpu.memory_space<vmem_shared>>
    tpu.wait_indirect_dma semaphore(%arg12 : memref<!tpu.dma_semaphore, #tpu.memory_space<semaphore_mem>>) src(%dma_wait3A_207 : memref<512x128xf32, #tpu.memory_space<vmem_shared>>) dst(%arg8 : memref<128x128xf32, #tpu.memory_space<vmem>>)
    %add3A_208 = arith.constant 1152 : i32
    %add3A_209 = arith.addi %mul3A_2, %add3A_208 : i32
    %dma_start3A_210 = arith.constant 0 : i32
    %dma_start3A_211 = tpu.memref_slice %arg4[%add3A_209, %dma_start3A_210] : memref<61440x128xf32, #tpu.memory_space<hbm>> -> memref<128x128xf32, #tpu.memory_space<hbm>>
    %dma_start3A_212 = arith.constant 0 : i32
    %dma_start3A_213 = tpu.memref_slice %arg4[%add3A_209, %dma_start3A_212] : memref<61440x128xf32, #tpu.memory_space<hbm>> -> memref<128x128xf32, #tpu.memory_space<hbm>>
    tpu.enqueue_dma source(%arg8 : memref<128x128xf32, #tpu.memory_space<vmem>>) target(%dma_start3A_213 : memref<128x128xf32, #tpu.memory_space<hbm>>) target_semaphore(%arg16 : memref<!tpu.dma_semaphore, #tpu.memory_space<semaphore_mem>>)
    %dma_wait3A_214 = arith.constant 0 : i32
    %dma_wait3A_215 = tpu.memref_slice %arg4[%add3A_209, %dma_wait3A_214] : memref<61440x128xf32, #tpu.memory_space<hbm>> -> memref<128x128xf32, #tpu.memory_space<hbm>>
    %dma_wait3A_216 = arith.constant 0 : i32
    %dma_wait3A_217 = tpu.memref_slice %arg4[%add3A_209, %dma_wait3A_216] : memref<61440x128xf32, #tpu.memory_space<hbm>> -> memref<128x128xf32, #tpu.memory_space<hbm>>
    tpu.wait_dma2 semaphore(%arg16 : memref<!tpu.dma_semaphore, #tpu.memory_space<semaphore_mem>>) src(%arg8 : memref<128x128xf32, #tpu.memory_space<vmem>>) dst(%dma_wait3A_217 : memref<128x128xf32, #tpu.memory_space<hbm>>)
    %dma_start3A_218 = arith.constant 1664 : i32
    %dma_start3A_219 = tpu.memref_slice %arg6[%dma_start3A_218] : memref<1920xi32, #tpu.memory_space<vmem>> -> memref<128xi32, #tpu.memory_space<vmem>>
    %dma_start3A_220 = arith.constant 0 : i32
    %dma_start3A_221 = arith.constant 0 : i32
    %dma_start3A_222 = tpu.memref_slice %arg5[%dma_start3A_220, %dma_start3A_221] : memref<512x128xf32, #tpu.memory_space<vmem_shared>> -> memref<512x128xf32, #tpu.memory_space<vmem_shared>>
    tpu.enqueue_indirect_dma source(%dma_start3A_222 : memref<512x128xf32, #tpu.memory_space<vmem_shared>>) target(%arg8 : memref<128x128xf32, #tpu.memory_space<vmem>>) offsets(%dma_start3A_219 : memref<128xi32, #tpu.memory_space<vmem>>) semaphore(%arg12 : memref<!tpu.dma_semaphore, #tpu.memory_space<semaphore_mem>>)
    %dma_wait3A_223 = arith.constant 1280 : i32
    %dma_wait3A_224 = tpu.memref_slice %arg6[%dma_wait3A_223] : memref<1920xi32, #tpu.memory_space<vmem>> -> memref<128xi32, #tpu.memory_space<vmem>>
    %dma_wait3A_225 = arith.constant 0 : i32
    %dma_wait3A_226 = arith.constant 0 : i32
    %dma_wait3A_227 = tpu.memref_slice %arg5[%dma_wait3A_225, %dma_wait3A_226] : memref<512x128xf32, #tpu.memory_space<vmem_shared>> -> memref<512x128xf32, #tpu.memory_space<vmem_shared>>
    tpu.wait_indirect_dma semaphore(%arg13 : memref<!tpu.dma_semaphore, #tpu.memory_space<semaphore_mem>>) src(%dma_wait3A_227 : memref<512x128xf32, #tpu.memory_space<vmem_shared>>) dst(%arg9 : memref<128x128xf32, #tpu.memory_space<vmem>>)
    %add3A_228 = arith.constant 1280 : i32
    %add3A_229 = arith.addi %mul3A_2, %add3A_228 : i32
    %dma_start3A_230 = arith.constant 0 : i32
    %dma_start3A_231 = tpu.memref_slice %arg4[%add3A_229, %dma_start3A_230] : memref<61440x128xf32, #tpu.memory_space<hbm>> -> memref<128x128xf32, #tpu.memory_space<hbm>>
    %dma_start3A_232 = arith.constant 0 : i32
    %dma_start3A_233 = tpu.memref_slice %arg4[%add3A_229, %dma_start3A_232] : memref<61440x128xf32, #tpu.memory_space<hbm>> -> memref<128x128xf32, #tpu.memory_space<hbm>>
    tpu.enqueue_dma source(%arg9 : memref<128x128xf32, #tpu.memory_space<vmem>>) target(%dma_start3A_233 : memref<128x128xf32, #tpu.memory_space<hbm>>) target_semaphore(%arg17 : memref<!tpu.dma_semaphore, #tpu.memory_space<semaphore_mem>>)
    %dma_wait3A_234 = arith.constant 0 : i32
    %dma_wait3A_235 = tpu.memref_slice %arg4[%add3A_229, %dma_wait3A_234] : memref<61440x128xf32, #tpu.memory_space<hbm>> -> memref<128x128xf32, #tpu.memory_space<hbm>>
    %dma_wait3A_236 = arith.constant 0 : i32
    %dma_wait3A_237 = tpu.memref_slice %arg4[%add3A_229, %dma_wait3A_236] : memref<61440x128xf32, #tpu.memory_space<hbm>> -> memref<128x128xf32, #tpu.memory_space<hbm>>
    tpu.wait_dma2 semaphore(%arg17 : memref<!tpu.dma_semaphore, #tpu.memory_space<semaphore_mem>>) src(%arg9 : memref<128x128xf32, #tpu.memory_space<vmem>>) dst(%dma_wait3A_237 : memref<128x128xf32, #tpu.memory_space<hbm>>)
    %dma_start3A_238 = arith.constant 1792 : i32
    %dma_start3A_239 = tpu.memref_slice %arg6[%dma_start3A_238] : memref<1920xi32, #tpu.memory_space<vmem>> -> memref<128xi32, #tpu.memory_space<vmem>>
    %dma_start3A_240 = arith.constant 0 : i32
    %dma_start3A_241 = arith.constant 0 : i32
    %dma_start3A_242 = tpu.memref_slice %arg5[%dma_start3A_240, %dma_start3A_241] : memref<512x128xf32, #tpu.memory_space<vmem_shared>> -> memref<512x128xf32, #tpu.memory_space<vmem_shared>>
    tpu.enqueue_indirect_dma source(%dma_start3A_242 : memref<512x128xf32, #tpu.memory_space<vmem_shared>>) target(%arg9 : memref<128x128xf32, #tpu.memory_space<vmem>>) offsets(%dma_start3A_239 : memref<128xi32, #tpu.memory_space<vmem>>) semaphore(%arg13 : memref<!tpu.dma_semaphore, #tpu.memory_space<semaphore_mem>>)
    %dma_wait3A_243 = arith.constant 1408 : i32
    %dma_wait3A_244 = tpu.memref_slice %arg6[%dma_wait3A_243] : memref<1920xi32, #tpu.memory_space<vmem>> -> memref<128xi32, #tpu.memory_space<vmem>>
    %dma_wait3A_245 = arith.constant 0 : i32
    %dma_wait3A_246 = arith.constant 0 : i32
    %dma_wait3A_247 = tpu.memref_slice %arg5[%dma_wait3A_245, %dma_wait3A_246] : memref<512x128xf32, #tpu.memory_space<vmem_shared>> -> memref<512x128xf32, #tpu.memory_space<vmem_shared>>
    tpu.wait_indirect_dma semaphore(%arg14 : memref<!tpu.dma_semaphore, #tpu.memory_space<semaphore_mem>>) src(%dma_wait3A_247 : memref<512x128xf32, #tpu.memory_space<vmem_shared>>) dst(%arg10 : memref<128x128xf32, #tpu.memory_space<vmem>>)
    %add3A_248 = arith.constant 1408 : i32
    %add3A_249 = arith.addi %mul3A_2, %add3A_248 : i32
    %dma_start3A_250 = arith.constant 0 : i32
    %dma_start3A_251 = tpu.memref_slice %arg4[%add3A_249, %dma_start3A_250] : memref<61440x128xf32, #tpu.memory_space<hbm>> -> memref<128x128xf32, #tpu.memory_space<hbm>>
    %dma_start3A_252 = arith.constant 0 : i32
    %dma_start3A_253 = tpu.memref_slice %arg4[%add3A_249, %dma_start3A_252] : memref<61440x128xf32, #tpu.memory_space<hbm>> -> memref<128x128xf32, #tpu.memory_space<hbm>>
    tpu.enqueue_dma source(%arg10 : memref<128x128xf32, #tpu.memory_space<vmem>>) target(%dma_start3A_253 : memref<128x128xf32, #tpu.memory_space<hbm>>) target_semaphore(%arg18 : memref<!tpu.dma_semaphore, #tpu.memory_space<semaphore_mem>>)
    %dma_wait3A_254 = arith.constant 1536 : i32
    %dma_wait3A_255 = tpu.memref_slice %arg6[%dma_wait3A_254] : memref<1920xi32, #tpu.memory_space<vmem>> -> memref<128xi32, #tpu.memory_space<vmem>>
    %dma_wait3A_256 = arith.constant 0 : i32
    %dma_wait3A_257 = arith.constant 0 : i32
    %dma_wait3A_258 = tpu.memref_slice %arg5[%dma_wait3A_256, %dma_wait3A_257] : memref<512x128xf32, #tpu.memory_space<vmem_shared>> -> memref<512x128xf32, #tpu.memory_space<vmem_shared>>
    tpu.wait_indirect_dma semaphore(%arg11 : memref<!tpu.dma_semaphore, #tpu.memory_space<semaphore_mem>>) src(%dma_wait3A_258 : memref<512x128xf32, #tpu.memory_space<vmem_shared>>) dst(%arg7 : memref<128x128xf32, #tpu.memory_space<vmem>>)
    %add3A_259 = arith.constant 1536 : i32
    %add3A_260 = arith.addi %mul3A_2, %add3A_259 : i32
    %dma_start3A_261 = arith.constant 0 : i32
    %dma_start3A_262 = tpu.memref_slice %arg4[%add3A_260, %dma_start3A_261] : memref<61440x128xf32, #tpu.memory_space<hbm>> -> memref<128x128xf32, #tpu.memory_space<hbm>>
    %dma_start3A_263 = arith.constant 0 : i32
    %dma_start3A_264 = tpu.memref_slice %arg4[%add3A_260, %dma_start3A_263] : memref<61440x128xf32, #tpu.memory_space<hbm>> -> memref<128x128xf32, #tpu.memory_space<hbm>>
    tpu.enqueue_dma source(%arg7 : memref<128x128xf32, #tpu.memory_space<vmem>>) target(%dma_start3A_264 : memref<128x128xf32, #tpu.memory_space<hbm>>) target_semaphore(%arg15 : memref<!tpu.dma_semaphore, #tpu.memory_space<semaphore_mem>>)
    %dma_wait3A_265 = arith.constant 1664 : i32
    %dma_wait3A_266 = tpu.memref_slice %arg6[%dma_wait3A_265] : memref<1920xi32, #tpu.memory_space<vmem>> -> memref<128xi32, #tpu.memory_space<vmem>>
    %dma_wait3A_267 = arith.constant 0 : i32
    %dma_wait3A_268 = arith.constant 0 : i32
    %dma_wait3A_269 = tpu.memref_slice %arg5[%dma_wait3A_267, %dma_wait3A_268] : memref<512x128xf32, #tpu.memory_space<vmem_shared>> -> memref<512x128xf32, #tpu.memory_space<vmem_shared>>
    tpu.wait_indirect_dma semaphore(%arg12 : memref<!tpu.dma_semaphore, #tpu.memory_space<semaphore_mem>>) src(%dma_wait3A_269 : memref<512x128xf32, #tpu.memory_space<vmem_shared>>) dst(%arg8 : memref<128x128xf32, #tpu.memory_space<vmem>>)
    %add3A_270 = arith.constant 1664 : i32
    %add3A_271 = arith.addi %mul3A_2, %add3A_270 : i32
    %dma_start3A_272 = arith.constant 0 : i32
    %dma_start3A_273 = tpu.memref_slice %arg4[%add3A_271, %dma_start3A_272] : memref<61440x128xf32, #tpu.memory_space<hbm>> -> memref<128x128xf32, #tpu.memory_space<hbm>>
    %dma_start3A_274 = arith.constant 0 : i32
    %dma_start3A_275 = tpu.memref_slice %arg4[%add3A_271, %dma_start3A_274] : memref<61440x128xf32, #tpu.memory_space<hbm>> -> memref<128x128xf32, #tpu.memory_space<hbm>>
    tpu.enqueue_dma source(%arg8 : memref<128x128xf32, #tpu.memory_space<vmem>>) target(%dma_start3A_275 : memref<128x128xf32, #tpu.memory_space<hbm>>) target_semaphore(%arg16 : memref<!tpu.dma_semaphore, #tpu.memory_space<semaphore_mem>>)
    %dma_wait3A_276 = arith.constant 1792 : i32
    %dma_wait3A_277 = tpu.memref_slice %arg6[%dma_wait3A_276] : memref<1920xi32, #tpu.memory_space<vmem>> -> memref<128xi32, #tpu.memory_space<vmem>>
    %dma_wait3A_278 = arith.constant 0 : i32
    %dma_wait3A_279 = arith.constant 0 : i32
    %dma_wait3A_280 = tpu.memref_slice %arg5[%dma_wait3A_278, %dma_wait3A_279] : memref<512x128xf32, #tpu.memory_space<vmem_shared>> -> memref<512x128xf32, #tpu.memory_space<vmem_shared>>
    tpu.wait_indirect_dma semaphore(%arg13 : memref<!tpu.dma_semaphore, #tpu.memory_space<semaphore_mem>>) src(%dma_wait3A_280 : memref<512x128xf32, #tpu.memory_space<vmem_shared>>) dst(%arg9 : memref<128x128xf32, #tpu.memory_space<vmem>>)
    %add3A_281 = arith.constant 1792 : i32
    %add3A_282 = arith.addi %mul3A_2, %add3A_281 : i32
    %dma_start3A_283 = arith.constant 0 : i32
    %dma_start3A_284 = tpu.memref_slice %arg4[%add3A_282, %dma_start3A_283] : memref<61440x128xf32, #tpu.memory_space<hbm>> -> memref<128x128xf32, #tpu.memory_space<hbm>>
    %dma_start3A_285 = arith.constant 0 : i32
    %dma_start3A_286 = tpu.memref_slice %arg4[%add3A_282, %dma_start3A_285] : memref<61440x128xf32, #tpu.memory_space<hbm>> -> memref<128x128xf32, #tpu.memory_space<hbm>>
    tpu.enqueue_dma source(%arg9 : memref<128x128xf32, #tpu.memory_space<vmem>>) target(%dma_start3A_286 : memref<128x128xf32, #tpu.memory_space<hbm>>) target_semaphore(%arg17 : memref<!tpu.dma_semaphore, #tpu.memory_space<semaphore_mem>>)
    %dma_wait3A_287 = arith.constant 0 : i32
    %dma_wait3A_288 = tpu.memref_slice %arg4[%add3A_260, %dma_wait3A_287] : memref<61440x128xf32, #tpu.memory_space<hbm>> -> memref<128x128xf32, #tpu.memory_space<hbm>>
    %dma_wait3A_289 = arith.constant 0 : i32
    %dma_wait3A_290 = tpu.memref_slice %arg4[%add3A_260, %dma_wait3A_289] : memref<61440x128xf32, #tpu.memory_space<hbm>> -> memref<128x128xf32, #tpu.memory_space<hbm>>
    tpu.wait_dma2 semaphore(%arg15 : memref<!tpu.dma_semaphore, #tpu.memory_space<semaphore_mem>>) src(%arg7 : memref<128x128xf32, #tpu.memory_space<vmem>>) dst(%dma_wait3A_290 : memref<128x128xf32, #tpu.memory_space<hbm>>)
    %dma_wait3A_291 = arith.constant 0 : i32
    %dma_wait3A_292 = tpu.memref_slice %arg4[%add3A_271, %dma_wait3A_291] : memref<61440x128xf32, #tpu.memory_space<hbm>> -> memref<128x128xf32, #tpu.memory_space<hbm>>
    %dma_wait3A_293 = arith.constant 0 : i32
    %dma_wait3A_294 = tpu.memref_slice %arg4[%add3A_271, %dma_wait3A_293] : memref<61440x128xf32, #tpu.memory_space<hbm>> -> memref<128x128xf32, #tpu.memory_space<hbm>>
    tpu.wait_dma2 semaphore(%arg16 : memref<!tpu.dma_semaphore, #tpu.memory_space<semaphore_mem>>) src(%arg8 : memref<128x128xf32, #tpu.memory_space<vmem>>) dst(%dma_wait3A_294 : memref<128x128xf32, #tpu.memory_space<hbm>>)
    %dma_wait3A_295 = arith.constant 0 : i32
    %dma_wait3A_296 = tpu.memref_slice %arg4[%add3A_282, %dma_wait3A_295] : memref<61440x128xf32, #tpu.memory_space<hbm>> -> memref<128x128xf32, #tpu.memory_space<hbm>>
    %dma_wait3A_297 = arith.constant 0 : i32
    %dma_wait3A_298 = tpu.memref_slice %arg4[%add3A_282, %dma_wait3A_297] : memref<61440x128xf32, #tpu.memory_space<hbm>> -> memref<128x128xf32, #tpu.memory_space<hbm>>
    tpu.wait_dma2 semaphore(%arg17 : memref<!tpu.dma_semaphore, #tpu.memory_space<semaphore_mem>>) src(%arg9 : memref<128x128xf32, #tpu.memory_space<vmem>>) dst(%dma_wait3A_298 : memref<128x128xf32, #tpu.memory_space<hbm>>)
    %dma_wait3A_299 = arith.constant 0 : i32
    %dma_wait3A_300 = tpu.memref_slice %arg4[%add3A_249, %dma_wait3A_299] : memref<61440x128xf32, #tpu.memory_space<hbm>> -> memref<128x128xf32, #tpu.memory_space<hbm>>
    %dma_wait3A_301 = arith.constant 0 : i32
    %dma_wait3A_302 = tpu.memref_slice %arg4[%add3A_249, %dma_wait3A_301] : memref<61440x128xf32, #tpu.memory_space<hbm>> -> memref<128x128xf32, #tpu.memory_space<hbm>>
    tpu.wait_dma2 semaphore(%arg18 : memref<!tpu.dma_semaphore, #tpu.memory_space<semaphore_mem>>) src(%arg10 : memref<128x128xf32, #tpu.memory_space<vmem>>) dst(%dma_wait3A_302 : memref<128x128xf32, #tpu.memory_space<hbm>>)
    return
  }
}

module attributes {stable_mosaic.version = 14 : i64} {
  func.func @_mlp_body(%arg0: i32, %arg1: memref<512x128xf32, #tpu.memory_space<vmem>>, %arg2: memref<512x1024xf32, #tpu.memory_space<vmem>>, %arg3: memref<1024x256xf32, #tpu.memory_space<vmem>>, %arg4: memref<1x256xf32, #tpu.memory_space<vmem>>, %arg5: memref<256x128xf32, #tpu.memory_space<vmem>>, %arg6: memref<1x128xf32, #tpu.memory_space<vmem>>, %arg7: memref<512x128xf32, #tpu.memory_space<vmem>>) attributes {dimension_semantics = [#tpu.dimension_semantics<arbitrary>], iteration_bounds = array<i64: 16>, scalar_prefetch = 0 : i64, scratch_operands = 0 : i64, tpu.core_type = #tpu.core_type<tc>, window_params = [{pipeline_mode = #tpu.pipeline_mode<synchronous>, transform_indices = @transform_0, window_bounds = array<i64: 512, 128>}, {transform_indices = @transform_1, window_bounds = array<i64: 512, 1024>}, {pipeline_mode = #tpu.pipeline_mode<synchronous>, transform_indices = @transform_2, window_bounds = array<i64: 1024, 256>}, {pipeline_mode = #tpu.pipeline_mode<synchronous>, transform_indices = @transform_3, window_bounds = array<i64: 1, 256>}, {pipeline_mode = #tpu.pipeline_mode<synchronous>, transform_indices = @transform_4, window_bounds = array<i64: 256, 128>}, {pipeline_mode = #tpu.pipeline_mode<synchronous>, transform_indices = @transform_5, window_bounds = array<i64: 1, 128>}, {transform_indices = @transform_6, window_bounds = array<i64: 512, 128>}]} {
    %eq3A = arith.constant 0 : i32
    %eq3A_0 = arith.cmpi eq, %arg0, %eq3A : i32
    %convert_element_type3A = arith.extui %eq3A_0 : i1 to i32
    %cond3A = arith.constant 0 : i32
    %cond3A_1 = arith.cmpi ne, %convert_element_type3A, %cond3A : i32
    scf.if %cond3A_1 {
      %get3A = arith.constant 0 : index
      %get3A_6 = arith.constant 0 : index
      %get3A_7 = vector.load %arg1[%get3A, %get3A_6] : memref<512x128xf32, #tpu.memory_space<vmem>>, vector<512x128xf32>
      %swap3A = arith.constant 0 : index
      %swap3A_8 = arith.constant 0 : index
      %swap3A_9 = vector.load %arg7[%swap3A, %swap3A_8] : memref<512x128xf32, #tpu.memory_space<vmem>>, vector<512x128xf32>
      tpu.vector_store %arg7[%swap3A, %swap3A_8], %get3A_7 {strides = array<i32>} : memref<512x128xf32, #tpu.memory_space<vmem>>, vector<512x128xf32>,
    } else {
    }
    %gt3A = arith.constant 0 : i32
    %gt3A_2 = arith.cmpi sgt, %arg0, %gt3A : i32
    %convert_element_type3A_3 = arith.extui %gt3A_2 : i1 to i32
    %cond3A_4 = arith.constant 0 : i32
    %cond3A_5 = arith.cmpi ne, %convert_element_type3A_3, %cond3A_4 : i32
    scf.if %cond3A_5 {
      %get3A = arith.constant 0 : index
      %get3A_6 = arith.constant 0 : index
      %get3A_7 = vector.load %arg2[%get3A, %get3A_6] : memref<512x1024xf32, #tpu.memory_space<vmem>>, vector<512x1024xf32>
      %get3A_8 = arith.constant 0 : index
      %get3A_9 = arith.constant 0 : index
      %get3A_10 = vector.load %arg3[%get3A_8, %get3A_9] : memref<1024x256xf32, #tpu.memory_space<vmem>>, vector<1024x256xf32>
      %dot_general3A = arith.constant dense<0.000000e+00> : vector<512x256xf32>
      %dot_general3A_11 = tpu.matmul %get3A_7, %get3A_10, %dot_general3A {dimension_numbers = #tpu.dot_dimension_numbers<[1], [0], [0], [1], [0, 0, 1, 1], [], []>, transpose_lhs_hint = false} : vector<512x1024xf32>, vector<1024x256xf32>, vector<512x256xf32> -> vector<512x256xf32>
      %get3A_12 = arith.constant 0 : index
      %get3A_13 = arith.constant 0 : index
      %get3A_14 = vector.load %arg4[%get3A_12, %get3A_13] : memref<1x256xf32, #tpu.memory_space<vmem>>, vector<1x256xf32>
      %add3A = vector.broadcast %get3A_14 : vector<1x256xf32> to vector<512x256xf32>
      %add3A_15 = arith.addf %dot_general3A_11, %add3A : vector<512x256xf32>
      %mul3A = arith.constant 5.000000e-01 : f32
      %mul3A_16 = vector.broadcast %mul3A : f32 to vector<512x256xf32>
      %mul3A_17 = arith.mulf %mul3A_16, %add3A_15 : vector<512x256xf32>
      %mul3A_18 = arith.constant 0.707106769 : f32
      %mul3A_19 = vector.broadcast %mul3A_18 : f32 to vector<512x256xf32>
      %mul3A_20 = arith.mulf %add3A_15, %mul3A_19 : vector<512x256xf32>
      %erf3A = math.erf %mul3A_20 : vector<512x256xf32>
      %add3A_21 = arith.constant 1.000000e+00 : f32
      %add3A_22 = vector.broadcast %add3A_21 : f32 to vector<512x256xf32>
      %add3A_23 = arith.addf %add3A_22, %erf3A : vector<512x256xf32>
      %mul3A_24 = arith.mulf %mul3A_17, %add3A_23 : vector<512x256xf32>
      %get3A_25 = arith.constant 0 : index
      %get3A_26 = arith.constant 0 : index
      %get3A_27 = vector.load %arg5[%get3A_25, %get3A_26] : memref<256x128xf32, #tpu.memory_space<vmem>>, vector<256x128xf32>
      %dot_general3A_28 = arith.constant dense<0.000000e+00> : vector<512x128xf32>
      %dot_general3A_29 = tpu.matmul %mul3A_24, %get3A_27, %dot_general3A_28 {dimension_numbers = #tpu.dot_dimension_numbers<[1], [0], [0], [1], [0, 0, 1, 1], [], []>, transpose_lhs_hint = false} : vector<512x256xf32>, vector<256x128xf32>, vector<512x128xf32> -> vector<512x128xf32>
      %get3A_30 = arith.constant 0 : index
      %get3A_31 = arith.constant 0 : index
      %get3A_32 = vector.load %arg6[%get3A_30, %get3A_31] : memref<1x128xf32, #tpu.memory_space<vmem>>, vector<1x128xf32>
      %add3A_33 = vector.broadcast %get3A_32 : vector<1x128xf32> to vector<512x128xf32>
      %add3A_34 = arith.addf %dot_general3A_29, %add3A_33 : vector<512x128xf32>
      %swap3A = arith.constant 0 : index
      %swap3A_35 = arith.constant 0 : index
      %swap3A_36 = vector.load %arg7[%swap3A, %swap3A_35] : memref<512x128xf32, #tpu.memory_space<vmem>>, vector<512x128xf32>
      tpu.vector_store %arg7[%swap3A, %swap3A_35], %add3A_34 {strides = array<i32>} : memref<512x128xf32, #tpu.memory_space<vmem>>, vector<512x128xf32>,
    } else {
    }
    return
  }
  func.func @transform_0(%arg0: i32) -> (i32, i32) {
    %c0_i32 = arith.constant 0 : i32
    %c0_i32_0 = arith.constant 0 : i32
    %c0_i32_1 = arith.constant 0 : i32
    return %c0_i32, %c0_i32_0 : i32, i32
  }
  func.func @transform_1(%arg0: i32) -> (i32, i32) {
    %sub3A = arith.constant 1 : i32
    %sub3A_0 = arith.subi %arg0, %sub3A : i32
    %max3A = arith.constant 0 : i32
    %max3A_1 = arith.maxsi %sub3A_0, %max3A : i32
    %c0_i32 = arith.constant 0 : i32
    %c0_i32_2 = arith.constant 0 : i32
    return %max3A_1, %c0_i32 : i32, i32
  }
  func.func @transform_2(%arg0: i32) -> (i32, i32) {
    %c0_i32 = arith.constant 0 : i32
    %c0_i32_0 = arith.constant 0 : i32
    %c0_i32_1 = arith.constant 0 : i32
    return %c0_i32, %c0_i32_0 : i32, i32
  }
  func.func @transform_3(%arg0: i32) -> (i32, i32) {
    %c0_i32 = arith.constant 0 : i32
    %c0_i32_0 = arith.constant 0 : i32
    %c0_i32_1 = arith.constant 0 : i32
    return %c0_i32, %c0_i32_0 : i32, i32
  }
  func.func @transform_4(%arg0: i32) -> (i32, i32) {
    %c0_i32 = arith.constant 0 : i32
    %c0_i32_0 = arith.constant 0 : i32
    %c0_i32_1 = arith.constant 0 : i32
    return %c0_i32, %c0_i32_0 : i32, i32
  }
  func.func @transform_5(%arg0: i32) -> (i32, i32) {
    %c0_i32 = arith.constant 0 : i32
    %c0_i32_0 = arith.constant 0 : i32
    %c0_i32_1 = arith.constant 0 : i32
    return %c0_i32, %c0_i32_0 : i32, i32
  }
  func.func @transform_6(%arg0: i32) -> (i32, i32) {
    %c0_i32 = arith.constant 0 : i32
    %c0_i32_0 = arith.constant 0 : i32
    return %arg0, %c0_i32 : i32, i32
  }
}

</mosaic_0001>

<sc_bundles>
// kernel: kernel.4.cloned.1.call-start
scs
__scs_entry_jumppad:
0x0: {  	(pc) =	sbr.rel $0x88, $3  }
0x1: {  	(tag) =	ssettag $0x0;
	lr =	simm.s32 $0x1  }
0x2: {  	[smem:$0x3F9B] =	sst lr;
	_ =	strace $0xD0000000  }
0x3: {  	_ = 	snop  }
0x4: {  	_ = 	snop  }
0x5: {  	_ = 	snop  }
0x6: {  	_ = 	snop  }
0x7: {  	_ = 	snop  }
__scs_overlays_trampoline_lowered:
0x8: {  	[smem:$0x3FAA] =	sst s0  }
0x9: {  	[smem:$0x3FAB] =	sst s1  }
0xa: {  	[smem:$0x3FAC] =	sst s2  }
0xb: {  	[smem:$0x3FAD] =	sst s3  }
0xc: {  	[smem:$0x3FAE] =	sst s4  }
0xd: {  	[smem:$0x3FAF] =	sst s5  }
0xe: {  	[smem:$0x3FB0] =	sst s6  }
0xf: {  	[smem:$0x3FB1] =	sst s7  }
0x10: {  	[smem:$0x3FB2] =	sst s8  }
0x11: {  	[smem:$0x3FB3] =	sst s9;
	s0 =	simm.s32 @!p0 $0x0  }
0x12: {  	s1 =	sld [smem:$0x3F99];
	s0 =	simm.s32 @p0 $0x1  }
0x13: {  	[smem:$0x3FB4] =	sst s0;
	s0 =	simm.s32 @!p1 $0x0  }
0x14: {  	s2 =	sld [smem:$0x3F98];
	s0 =	simm.s32 @p1 $0x1  }
0x15: {  	[smem:$0x3FB5] =	sst s0;
	s0 =	simm.s32 @!p2 $0x0  }
0x16: {  	s3 =	sld [smem:$0x3FDB];
	s0 =	simm.s32 @p2 $0x1  }
0x17: {  	s4 =	simm.s32 $0x1BF5;
	[smem:$0x3FB7] =	sst s0  }
0x18: {  	s0 =	sld [smem:$0x3F9A];
	_ =	swait.ge [sflag:s4], $0x0  }
0x19: {  	s7 =	sld [smem:$0x3F9B]  }
0x1a: {  	s8 =	sadd.s32 $0xFFFFE003, lr  }
0x1b: {  	s9 =	sadd.s32 $0xFFFFFEF7, lr;
	s5 =	simm.s32 $0xFFFFFFFF;
	p2 =	slt.u32 s8, $0xFFFFF086  }
0x1c: {  	p1 =	slt.u32 s9, $0xF7A;
	s5 =	simm.s32 @!p2 $0x0  }
0x1d: {  	s5 =	simm.s32 @p1 $0x1;
	p0 =	seq.s32 s7, s2  }
0x1e: {  	s7 =	smul.u32 @!p0 $0xF7A, s2;
	p2 =	seq.s32 @!p0 s5, $0x0  }
0x1f: {  	s9 =	smul.u32 $0xF7A, s1;
	s8 =	simm.s32 @!p0 $0x1BF5;
	p2 =	por !p2, p0  }
0x20: {  	[sflag:s8] =	ssyncset.s32 @!p0 $0xFFFFF086;
	s6 =	sadd.s32 @!p0 s3, s7;
	s7 =	simm.s32 @!p0 $0x108  }
0x21: {  	s3 =	sadd.s32 s3, s9;
	s6 =	sadd.s32 @!p0 $0x88, s6;
	s7 =	simm.s32 @p2 $0x1082  }
0x22: {  	[simem:s7], [sflag:s8] =	dma.local @!p0 [hbm:s6], $0xF7A  }
0x23: {  	s9 =	sor.u32 $0xD0000000, s2;
	s6 =	simm.s32 $0x108;
	_ =	swait.ge @!p0 [sflag:s8], $0x0  }
0x24: {  	s3 =	sadd.s32 $0x88, s3;
	s6 =	simm.s32 @!p1 $0x1082;
	[sflag:s4] =	ssyncset.s32 $0xFFFFF086  }
0x25: {  	[simem:s6], [sflag:s4] =	dma.local [hbm:s3], $0xF7A  }
0x26: {  	[smem:$0x3F9B] =	sst s1;
	(tag) =	ssettag s2;
	_ =	strace s9  }
0x27: {  	s1 =	sld [smem:$0x3FAB]  }
0x28: {  	s2 =	sld [smem:$0x3FAC]  }
0x29: {  	s4 =	sld [smem:$0x3FAE]  }
0x2a: {  	p0 =	seq.s32 s5, $0x0;
	s5 =	sld [smem:$0x3FAF]  }
0x2b: {  	s6 =	sld [smem:$0x3FB0]  }
0x2c: {  	s7 =	sld [smem:$0x3FB1]  }
0x2d: {  	s3 =	simm.s32 $0x108;
	s8 =	sld [smem:$0x3FB2]  }
0x2e: {  	s3 =	simm.s32 @!p0 $0x1082;
	s9 =	sld [smem:$0x3FB3]  }
0x2f: {  	lr =	sadd.s32 s0, s3;
	s0 =	sld [smem:$0x3FAA]  }
0x30: {  	s3 =	sld [smem:$0x3FAD]  }
0x31: {  	[smem:$0x3FB6] =	sst s10  }
0x32: {  	s10 =	sld [smem:$0x3FB4];
	_ =	sdelay $0x3  }
0x33: {  	p0 =	seq.s32 s10, $0x1;
	s10 =	sld [smem:$0x3FB6];
	_ =	sdelay $0x3  }
0x34: {  	[smem:$0x3FB6] =	sst s10  }
0x35: {  	s10 =	sld [smem:$0x3FB5];
	_ =	sdelay $0x3  }
0x36: {  	p1 =	seq.s32 s10, $0x1;
	s10 =	sld [smem:$0x3FB6];
	_ =	sdelay $0x3  }
0x37: {  	[smem:$0x3FB6] =	sst s10  }
0x38: {  	s10 =	sld [smem:$0x3FB7]  }
0x39: {  	_ = 	snop;
	(pc) =	sbr.ind lr, $3  }
0x3a: {  	_ = 	snop  }
0x3b: {  	_ = 	snop  }
0x3c: {  	p2 =	seq.s32 s10, $0x1;
	s10 =	sld [smem:$0x3FB6]  }
0x3d: {  	_ =	shalt  }
0x3e: {  	_ =	shalt  }
0x3f: {  	_ =	shalt  }
0x40: {  	_ =	shalt  }
0x41: {  	_ =	shalt  }
0x42: {  	_ =	shalt  }
0x43: {  	_ =	shalt  }
0x44: {  	_ =	shalt  }
0x45: {  	_ =	shalt  }
0x46: {  	_ =	shalt  }
0x47: {  	_ =	shalt  }
0x48: {  	_ =	shalt  }
0x49: {  	_ =	shalt  }
0x4a: {  	_ =	shalt  }
0x4b: {  	_ =	shalt  }
0x4c: {  	_ =	shalt  }
0x4d: {  	_ =	shalt  }
0x4e: {  	_ =	shalt  }
0x4f: {  	_ =	shalt  }
0x50: {  	_ =	shalt  }
0x51: {  	_ =	shalt  }
0x52: {  	_ =	shalt  }
0x53: {  	_ =	shalt  }
0x54: {  	_ =	shalt  }
0x55: {  	_ =	shalt  }
0x56: {  	_ =	shalt  }
0x57: {  	_ =	shalt  }
0x58: {  	_ =	shalt  }
0x59: {  	_ =	shalt  }
0x5a: {  	_ =	shalt  }
0x5b: {  	_ =	shalt  }
0x5c: {  	_ =	shalt  }
0x5d: {  	_ =	shalt  }
0x5e: {  	_ =	shalt  }
0x5f: {  	_ =	shalt  }
0x60: {  	_ =	shalt  }
0x61: {  	_ =	shalt  }
0x62: {  	_ =	shalt  }
0x63: {  	_ =	shalt  }
0x64: {  	_ =	shalt  }
0x65: {  	_ =	shalt  }
0x66: {  	_ =	shalt  }
0x67: {  	_ =	shalt  }
0x68: {  	_ =	shalt  }
0x69: {  	_ =	shalt  }
0x6a: {  	_ =	shalt  }
0x6b: {  	_ =	shalt  }
0x6c: {  	_ =	shalt  }
0x6d: {  	_ =	shalt  }
0x6e: {  	_ =	shalt  }
0x6f: {  	_ =	shalt  }
0x70: {  	_ =	shalt  }
0x71: {  	_ =	shalt  }
0x72: {  	_ =	shalt  }
0x73: {  	_ =	shalt  }
0x74: {  	_ =	shalt  }
0x75: {  	_ =	shalt  }
0x76: {  	_ =	shalt  }
0x77: {  	_ =	shalt  }
0x78: {  	_ =	shalt  }
0x79: {  	_ =	shalt  }
0x7a: {  	_ =	shalt  }
0x7b: {  	_ =	shalt  }
0x7c: {  	_ =	shalt  }
0x7d: {  	_ =	shalt  }
0x7e: {  	_ =	shalt  }
0x7f: {  	_ =	shalt  }
0x80: {  	_ =	shalt  }
0x81: {  	_ =	shalt  }
0x82: {  	_ =	shalt  }
0x83: {  	_ =	shalt  }
0x84: {  	_ =	shalt  }
0x85: {  	_ =	shalt  }
0x86: {  	_ =	shalt  }
0x87: {  	_ =	shalt  }
.Lfunc_end0:
.L_simem_size_0:
called_computation_lowered:
.L_overlay_start_0:
0x88: {  	s2 =	sld [smem:$0x3FD9]  }
0x89: {  	s3 =	sld [smem:$0x3FFE];
	_ =	sdelay $0x1  }
0x8a: {  	s1 =	srdreg.scid  }
0x8b: {  	s0 =	sand.u32 $0x1, s1  }
0x8c: {  	s17 =	sshll.u32 s0, $0xA;
	s2 =	sadd.s32 s3, s2  }
0x8d: {  	s2 =	sadd.s32 s2, s17  }
0x8e: {  	[smem:$0x3FC2] =	sst s2  }
0x8f: {  	_ = 	snop  }
0x90: {  	s2 =	sld [smem:$0x3FC9]  }
0x91: {  	s18 =	sld [smem:$0x3FD0];
	(tm) =	ssettm $0x1  }
0x92: {  	s4 =	sld [smem:$0x3FFB];
	_ =	sdelay $0x3  }
0x93: {  	_ =	strace s4  }
0x94: {  	s4 =	sld [smem:$0x3FFC];
	_ =	sdelay $0x3  }
0x95: {  	_ =	strace s4  }
0x96: {  	s4 =	sld [smem:$0x3FFD];
	_ =	sdelay $0x3  }
0x97: {  	_ =	strace s4  }
0x98: {  	_ =	strace $0x8FFFFFFF  }
0x99: {  	s19 =	sld [smem:$0x3FDB];
	_ =	sdelay $0x1  }
0x9a: {  	s5 =	simm.s32 $_scs_section_size  }
0x9b: {  	s6 =	simm.s32 $_size__tile_overlayer_lowered;
	s7 =	simm.s32 $_tile_overlayer_lowered  }
0x9c: {  	s22 =	simm.s32 $0x1BFF;
	s21 =	sshll.u32 s7, $0x1;
	s4 =	sadd.s32 s5, s19  }
0x9d: {  	s8 =	simm.s32 $0x0;
	s20 =	sshll.u32 s6, $0x1;
	s6 =	sadd.s32 s21, s4  }
0x9e: {  	[timem:s8], [sflag:s22] =	dma.local [hbm:s6], s20  }
0x9f: {  	_ =	swait.ge [sflag:s22], s20  }
0xa0: {  	s5 =	ssub.s32 $0x0, s20;
	[sflag:s22] =	ssyncset.done $0x0  }
0xa1: {  	[sflag:s22] =	ssyncadd.s32 s5;
	_ =	sdelay $0x1  }
0xa2: {  	s23 =	simm.s32 $0x1B8B  }
0xa3: {  	_ =	swait.ge [sflag:s23], $0x1  }
0xa4: {  	[sflag:s23] =	ssyncset.done $0x0  }
0xa5: {  	s25 =	simm.s32 $0x1B8E;
	s24 =	sld [smem:$0x3FFE];
	[sflag:s23] =	ssyncadd.s32 $0xFFFFFFFF  }
0xa6: {  	s26 =	simm.s32 $execute0_lowered;
	[smem:$0x3FD2] =	sst s25  }
0xa7: {  	s6 =	sshll.u32 s26, $0x1;
	_ =	strace $0x80000046;
	[dreg:$0x1] =	wrdreg $0xFFFFFFFF  }
0xa8: {  	s28 =	simm.s32 $_size_execute0_lowered;
	s4 =	sadd.s32 s4, s6;
	[dreg:$0x0] =	wrdreg $0x0  }
0xa9: {  	s6 =	sshll.u32 s28, $0x1;
	[dreg:$0x2] =	wrdreg s4  }
0xaa: {  	[dreg:$0x3] =	wrdreg s6  }
0xab: {  	[dreg:$0x4] =	wrdreg $0xC0  }
0xac: {  	_ =	task [dreg:s8], $0x5FFFF  }
0xad: {  	[dreg:$0x1] =	wrdreg $0xFFFFFFFF  }
0xae: {  	[dreg:$0x0] =	wrdreg $0x60  }
0xaf: {  	[dreg:$0x2] =	wrdreg s2  }
0xb0: {  	[dreg:$0x3] =	wrdreg s18  }
0xb1: {  	[dreg:$0x4] =	wrdreg s24  }
0xb2: {  	[dreg:$0x5] =	wrdreg $0x0  }
0xb3: {  	[dreg:$0x6] =	wrdreg $0x9  }
0xb4: {  	_ =	task.clear_ibuf [dreg:s8], $0x7FFFF;
	_ =	strace $0x90000046  }
0xb5: {  	s29 =	simm.s32 $0x9;
	_ =	strace $0x80000048  }
0xb6: {  	_ =	swait.ge [sflag:s29], $0x1  }
0xb7: {  	[sflag:s29] =	ssyncadd.s32 $0xFFFFFFFF  }
0xb8: {  	_ =	strace $0x90000048  }
0xb9: {  	_ =	sfence  }
0xba: {  	s30 =	sld [smem:$0x0];
	_ =	sdelay $0x2  }
0xbb: {  	s31 =	sshll.u32 s1, $0xD;
	s1 =	sshrl.u32 s1, $0x2  }
0xbc: {  	s3 =	sand.u32 $0x4000, s31;
	s1 =	sadd.s32 s1, s30  }
0xbd: {  	s0 =	sor.u32 s3, s0;
	s1 =	sshll.u32 s1, $0x11  }
0xbe: {  	s0 =	sor.u32 s1, s0  }
0xbf: {  	s0 =	sadd.s32 $0x8F2B, s0  }
0xc0: {  	[sflag:s0] =	ssyncadd.remote.s32 $0x1  }
0xc1: {  	_ =	sfence.sel $0xFFFF  }
0xc2: {  	[dreg:$0x0] =	wrdreg $0xFFFFFFFF;
	(pc) =	sbr.abs _section_cstart, $3  }
0xc3: {  	[dreg:$0x1] =	wrdreg $0xFFFFFFFF  }
0xc4: {  	_ =	task.clear_ibuf [dreg:s8], $0x2FFFF;
	_ =	strace $0x9FFFFFFF  }
0xc5: {  	(tm) =	ssettm $0x7FFFFFFF  }
tec
execute0_lowered:
.L_overlay_start_1:
0x0: {  	(tag) =	ssettag $0x1  }
0x1: {  	s0 =	rddreg [dreg:$0x0]  }
0x2: {  	s26 =	rddreg [dreg:$0x1]  }
0x3: {  	s1 =	srdreg.scid;
	s4 =	rddreg [dreg:$0x2]  }
0x4: {  	s3 =	stileid.u32;
	s2 =	rddreg [dreg:$0x3]  }
0x5: {  	s30 =	rddreg [dreg:$0x4];
	s28 =	simm.s32 $0x9;
	s24 =	simm.s32 $0x1080  }
0x6: {  	s25 =	simm.s32 $0x1100;
	s5 =	sand.u32 $0x1, s1;
	s29 =	sshll.u32 s3, $0x1  }
0x7: {  	[dreg:$0x5] =	wrdreg s0;
	s1 =	simm.s32 $0x0;
	s6 =	sor.u32 s5, s29  }
0x8: {  	p1 =	por $0x0, $0x0;
	[smem:$0x7FF] =	sst s1;
	s7 =	smul.u32 $0xF0, s6  }
0x9: {  	s8 =	smul.u32 $0x3C000, s6;
	_ =	strace $0x80000047;
	[dreg:$0x17] =	wrdreg s24  }
0xa: {  	s29 =	simm.s32 $0x1180;
	s6 =	smul.u32 $0x7800, s6;
	[dreg:$0x18] =	wrdreg s25  }
0xb: {  	s4 =	sadd.s32 $0xE00, s4;
	[dreg:$0x19] =	wrdreg s29;
	s0 =	sadd.s32 s26, s7  }
0xc: {  	p0 =	sne.s32 s3, $0x0;
	s6 =	sadd.s32 s4, s6;
	[dreg:$0x6] =	wrdreg s0  }
0xd: {  	s31 =	sshrl.u32 s8, $0x3;
	[dreg:$0x7] =	wrdreg s6;
	s0 =	sshrl.u32 @!p0 s2, $0x3  }
0xe: {  	s4 =	sadd.s32 s4, s31;
	s31 =	simm.s32 $0x1200;
	[dreg:$0x16] =	wrdreg s0  }
0xf: {  	s3 =	simm.s32 $0x9780;
	s8 =	sadd.s32 $0x800, s4;
	[dreg:$0x1a] =	wrdreg s31  }
0x10: {  	s5 =	ssub.s32 $0x2, s5;
	s9 =	sadd.s32 $0x1000, s4;
	[dreg:$0x8] =	wrdreg s8  }
0x11: {  	s20 =	sshrl.u32 s5, $0x1;
	s10 =	sadd.s32 $0x1800, s4;
	[dreg:$0x9] =	wrdreg s9  }
0x12: {  	s25 =	simm.s32 $0x1280;
	s11 =	sadd.s32 $0x2000, s4;
	[dreg:$0xa] =	wrdreg s10  }
0x13: {  	s24 =	simm.s32 $0x1300;
	s12 =	sadd.s32 $0x2800, s4;
	[dreg:$0xb] =	wrdreg s11  }
0x14: {  	s23 =	ssub.s32 s5, s20;
	s13 =	sadd.s32 $0x3000, s4;
	[dreg:$0xc] =	wrdreg s12  }
0x15: {  	s5 =	simm.s32 $0x5780;
	s14 =	sadd.s32 $0x3800, s4;
	[dreg:$0xd] =	wrdreg s13  }
0x16: {  	s20 =	simm.s32 $0x1500;
	s15 =	sadd.s32 $0x4000, s4;
	[dreg:$0xe] =	wrdreg s14  }
0x17: {  	s26 =	simm.s32 $0x1000;
	s16 =	sadd.s32 $0x4800, s4;
	[dreg:$0xf] =	wrdreg s15  }
0x18: {  	s7 =	simm.s32 $0x7;
	s17 =	sadd.s32 $0x5000, s4;
	[dreg:$0x10] =	wrdreg s16  }
0x19: {  	s6 =	simm.s32 $0x6;
	s18 =	sadd.s32 $0x5800, s4;
	[dreg:$0x11] =	wrdreg s17  }
0x1a: {  	s19 =	sadd.s32 $0x6000, s4;
	s21 =	sadd.s32 $0x6800, s4;
	[dreg:$0x12] =	wrdreg s18  }
0x1b: {  	s22 =	sadd.s32 $0x7000, s4;
	[dreg:$0x13] =	wrdreg s19;
	s16 =	smax.u32 s23, $0x1  }
0x1c: {  	s4 =	simm.s32 $0x5;
	[dreg:$0x14] =	wrdreg s21;
	s16 =	sadd.s32 $0xFFFFFFFF, s16  }
0x1d: {  	[dreg:$0x15] =	wrdreg s22;
	s11 =	simm.s32 $0x80;
	p2 =	sne.s32 s16, $0x0  }
.Ltmp0:
0x1e: {  	s9 =	simm.s32 $0x1780;
	s14 =	simm.s32 $0xD780;
	(pc) =	sbr.rel @!p2 .LBB2_1-.Ltmp0, $4  }
0x1f: {  	s13 =	simm.s32 $0x1;
	s12 =	simm.s32 $0x2;
	s10 =	simm.s32 $0x3  }
0x20: {  	s15 =	simm.s32 $0x4;
	s8 =	simm.s32 $0x8;
	s23 =	simm.s32 $0x1380  }
0x21: {  	s22 =	simm.s32 $0x1400;
	s21 =	simm.s32 $0x1480;
	s19 =	simm.s32 $0x1580  }
0x22: {  	s18 =	simm.s32 $0x1600;
	s17 =	simm.s32 $0x1680;
	s0 =	rddreg [dreg:$0x16]  }
0x23: {  	s31 =	rddreg [dreg:$0x5];
	s29 =	simm.s32 @!p0 $0x1C09;
	s30 =	simm.s32 @!p0 $0x9  }
0x24: {  	[spmem:s0], [sflag:s29] =	dma.local @!p0 [hbm:s31], $0x2000  }
0x25: {  	_ =	swait.ge @!p0 [sflag:s30], $0x2000  }
0x26: {  	[sflag:s30] =	ssyncset.done @!p0 $0x0  }
0x27: {  	s0 =	rddreg [dreg:$0x6];
	[sflag:s30] =	ssyncadd.s32 @!p0 $0xFFFFE000  }
0x28: {  	[tilespmem:s26], [sflag:$0x9] =	stream.linear.gather [hbm4b:s0+s1], $0x780, $0x38;
	[tilespmem:$0x11780] =	vst v63  }
0x29: {  	_ =	swait.ge [sflag:s28], $0x780  }
0x2a: {  	[sflag:s28] =	ssyncset.done $0x0  }
0x2b: {  	[sflag:s28] =	ssyncadd.s32 $0xFFFFF880  }
0x2c: {  	[bflag:$0x0] =	sbarrier.arrive $0xFFFF  }
0x2d: {  	[tilespmem:s9], [sflag:$0x1] =	stream.indirect.gather [spmem:s2], $0x80, s26, s11, $0xb8;
	[tilespmem:$0x11780] =	vst v63  }
0x2e: {  	s0 =	rddreg [dreg:$0x17]  }
0x2f: {  	[tilespmem:s5], [sflag:$0x2] =	stream.indirect.gather [spmem:s2], $0x80, s0, s11, $0xb8;
	[tilespmem:$0x11780] =	vst v63  }
0x30: {  	s31 =	rddreg [dreg:$0x18]  }
0x31: {  	[tilespmem:s3], [sflag:$0x3] =	stream.indirect.gather [spmem:s2], $0x80, s31, s11, $0xb8;
	[tilespmem:$0x11780] =	vst v63  }
0x32: {  	s0 =	rddreg [dreg:$0x19]  }
0x33: {  	[tilespmem:s14], [sflag:$0x4] =	stream.indirect.gather [spmem:s2], $0x80, s0, s11, $0xb8;
	[tilespmem:$0x11780] =	vst v63  }
0x34: {  	_ =	swait.ge [sflag:s13], $0x4000  }
0x35: {  	[sflag:s13] =	ssyncset.done $0x0  }
0x36: {  	s0 =	rddreg [dreg:$0x7];
	[sflag:s13] =	ssyncadd.s32 $0xFFFFC000  }
0x37: {  	[hbm4b:s0+s1] =	stream.linear.scatter [tilespmem:s9], [sflag:$0x5], $0x4000, $0x38;
	[tilespmem:$0x11780] =	vst v63  }
0x38: {  	_ =	swait.ge [sflag:s4], $0x4000  }
0x39: {  	[sflag:s4] =	ssyncset.done $0x0  }
0x3a: {  	s0 =	rddreg [dreg:$0x1a];
	[sflag:s4] =	ssyncadd.s32 $0xFFFFC000  }
0x3b: {  	[tilespmem:s9], [sflag:$0x1] =	stream.indirect.gather [spmem:s2], $0x80, s0, s11, $0xb8;
	[tilespmem:$0x11780] =	vst v63  }
0x3c: {  	_ =	swait.ge [sflag:s12], $0x4000  }
0x3d: {  	[sflag:s12] =	ssyncset.done $0x0  }
0x3e: {  	s0 =	rddreg [dreg:$0x8];
	[sflag:s12] =	ssyncadd.s32 $0xFFFFC000  }
0x3f: {  	[hbm4b:s0+s1] =	stream.linear.scatter [tilespmem:s5], [sflag:$0x6], $0x4000, $0x38;
	[tilespmem:$0x11780] =	vst v63  }
0x40: {  	_ =	swait.ge [sflag:s6], $0x4000  }
0x41: {  	[sflag:s6] =	ssyncset.done $0x0  }
0x42: {  	[sflag:s6] =	ssyncadd.s32 $0xFFFFC000  }
0x43: {  	[tilespmem:s5], [sflag:$0x2] =	stream.indirect.gather [spmem:s2], $0x80, s25, s11, $0xb8;
	[tilespmem:$0x11780] =	vst v63  }
0x44: {  	_ =	swait.ge [sflag:s10], $0x4000  }
0x45: {  	[sflag:s10] =	ssyncset.done $0x0  }
0x46: {  	s0 =	rddreg [dreg:$0x9];
	[sflag:s10] =	ssyncadd.s32 $0xFFFFC000  }
0x47: {  	[hbm4b:s0+s1] =	stream.linear.scatter [tilespmem:s3], [sflag:$0x7], $0x4000, $0x38;
	[tilespmem:$0x11780] =	vst v63  }
0x48: {  	_ =	swait.ge [sflag:s7], $0x4000  }
0x49: {  	[sflag:s7] =	ssyncset.done $0x0  }
0x4a: {  	[sflag:s7] =	ssyncadd.s32 $0xFFFFC000  }
0x4b: {  	[tilespmem:s3], [sflag:$0x3] =	stream.indirect.gather [spmem:s2], $0x80, s24, s11, $0xb8;
	[tilespmem:$0x11780] =	vst v63  }
0x4c: {  	_ =	swait.ge [sflag:s15], $0x4000  }
0x4d: {  	[sflag:s15] =	ssyncset.done $0x0  }
0x4e: {  	s0 =	rddreg [dreg:$0xa];
	[sflag:s15] =	ssyncadd.s32 $0xFFFFC000  }
0x4f: {  	[hbm4b:s0+s1] =	stream.linear.scatter [tilespmem:s14], [sflag:$0x8], $0x4000, $0x38;
	[tilespmem:$0x11780] =	vst v63  }
0x50: {  	_ =	swait.ge [sflag:s8], $0x4000  }
0x51: {  	[sflag:s8] =	ssyncset.done $0x0  }
0x52: {  	[sflag:s8] =	ssyncadd.s32 $0xFFFFC000  }
0x53: {  	[tilespmem:s14], [sflag:$0x4] =	stream.indirect.gather [spmem:s2], $0x80, s23, s11, $0xb8;
	[tilespmem:$0x11780] =	vst v63  }
0x54: {  	_ =	swait.ge [sflag:s13], $0x4000  }
0x55: {  	[sflag:s13] =	ssyncset.done $0x0  }
0x56: {  	s0 =	rddreg [dreg:$0xb];
	[sflag:s13] =	ssyncadd.s32 $0xFFFFC000  }
0x57: {  	[hbm4b:s0+s1] =	stream.linear.scatter [tilespmem:s9], [sflag:$0x5], $0x4000, $0x38;
	[tilespmem:$0x11780] =	vst v63  }
0x58: {  	_ =	swait.ge [sflag:s4], $0x4000  }
0x59: {  	[sflag:s4] =	ssyncset.done $0x0  }
0x5a: {  	[sflag:s4] =	ssyncadd.s32 $0xFFFFC000  }
0x5b: {  	[tilespmem:s9], [sflag:$0x1] =	stream.indirect.gather [spmem:s2], $0x80, s22, s11, $0xb8;
	[tilespmem:$0x11780] =	vst v63  }
0x5c: {  	_ =	swait.ge [sflag:s12], $0x4000  }
0x5d: {  	[sflag:s12] =	ssyncset.done $0x0  }
0x5e: {  	s0 =	rddreg [dreg:$0xc];
	[sflag:s12] =	ssyncadd.s32 $0xFFFFC000  }
0x5f: {  	[hbm4b:s0+s1] =	stream.linear.scatter [tilespmem:s5], [sflag:$0x6], $0x4000, $0x38;
	[tilespmem:$0x11780] =	vst v63  }
0x60: {  	_ =	swait.ge [sflag:s6], $0x4000  }
0x61: {  	[sflag:s6] =	ssyncset.done $0x0  }
0x62: {  	[sflag:s6] =	ssyncadd.s32 $0xFFFFC000  }
0x63: {  	[tilespmem:s5], [sflag:$0x2] =	stream.indirect.gather [spmem:s2], $0x80, s21, s11, $0xb8;
	[tilespmem:$0x11780] =	vst v63  }
0x64: {  	_ =	swait.ge [sflag:s10], $0x4000  }
0x65: {  	[sflag:s10] =	ssyncset.done $0x0  }
0x66: {  	s0 =	rddreg [dreg:$0xd];
	[sflag:s10] =	ssyncadd.s32 $0xFFFFC000  }
0x67: {  	[hbm4b:s0+s1] =	stream.linear.scatter [tilespmem:s3], [sflag:$0x7], $0x4000, $0x38;
	[tilespmem:$0x11780] =	vst v63  }
0x68: {  	_ =	swait.ge [sflag:s7], $0x4000  }
0x69: {  	[sflag:s7] =	ssyncset.done $0x0  }
0x6a: {  	[sflag:s7] =	ssyncadd.s32 $0xFFFFC000  }
0x6b: {  	[tilespmem:s3], [sflag:$0x3] =	stream.indirect.gather [spmem:s2], $0x80, s20, s11, $0xb8;
	[tilespmem:$0x11780] =	vst v63  }
0x6c: {  	_ =	swait.ge [sflag:s15], $0x4000  }
0x6d: {  	[sflag:s15] =	ssyncset.done $0x0  }
0x6e: {  	s0 =	rddreg [dreg:$0xe];
	[sflag:s15] =	ssyncadd.s32 $0xFFFFC000  }
0x6f: {  	[hbm4b:s0+s1] =	stream.linear.scatter [tilespmem:s14], [sflag:$0x8], $0x4000, $0x38;
	[tilespmem:$0x11780] =	vst v63  }
0x70: {  	_ =	swait.ge [sflag:s8], $0x4000  }
0x71: {  	[sflag:s8] =	ssyncset.done $0x0  }
0x72: {  	[sflag:s8] =	ssyncadd.s32 $0xFFFFC000  }
0x73: {  	[tilespmem:s14], [sflag:$0x4] =	stream.indirect.gather [spmem:s2], $0x80, s19, s11, $0xb8;
	[tilespmem:$0x11780] =	vst v63  }
0x74: {  	_ =	swait.ge [sflag:s13], $0x4000  }
0x75: {  	[sflag:s13] =	ssyncset.done $0x0  }
0x76: {  	s0 =	rddreg [dreg:$0xf];
	[sflag:s13] =	ssyncadd.s32 $0xFFFFC000  }
0x77: {  	[hbm4b:s0+s1] =	stream.linear.scatter [tilespmem:s9], [sflag:$0x5], $0x4000, $0x38;
	[tilespmem:$0x11780] =	vst v63  }
0x78: {  	_ =	swait.ge [sflag:s4], $0x4000  }
0x79: {  	[sflag:s4] =	ssyncset.done $0x0  }
0x7a: {  	[sflag:s4] =	ssyncadd.s32 $0xFFFFC000  }
0x7b: {  	[tilespmem:s9], [sflag:$0x1] =	stream.indirect.gather [spmem:s2], $0x80, s18, s11, $0xb8;
	[tilespmem:$0x11780] =	vst v63  }
0x7c: {  	_ =	swait.ge [sflag:s12], $0x4000  }
0x7d: {  	[sflag:s12] =	ssyncset.done $0x0  }
0x7e: {  	s0 =	rddreg [dreg:$0x10];
	[sflag:s12] =	ssyncadd.s32 $0xFFFFC000  }
0x7f: {  	[hbm4b:s0+s1] =	stream.linear.scatter [tilespmem:s5], [sflag:$0x6], $0x4000, $0x38;
	[tilespmem:$0x11780] =	vst v63  }
0x80: {  	_ =	swait.ge [sflag:s6], $0x4000  }
0x81: {  	[sflag:s6] =	ssyncset.done $0x0  }
0x82: {  	[sflag:s6] =	ssyncadd.s32 $0xFFFFC000  }
0x83: {  	[tilespmem:s5], [sflag:$0x2] =	stream.indirect.gather [spmem:s2], $0x80, s17, s11, $0xb8;
	[tilespmem:$0x11780] =	vst v63  }
0x84: {  	_ =	swait.ge [sflag:s10], $0x4000  }
0x85: {  	[sflag:s10] =	ssyncset.done $0x0  }
0x86: {  	s0 =	rddreg [dreg:$0x11];
	[sflag:s10] =	ssyncadd.s32 $0xFFFFC000  }
0x87: {  	[hbm4b:s0+s1] =	stream.linear.scatter [tilespmem:s3], [sflag:$0x7], $0x4000, $0x38;
	[tilespmem:$0x11780] =	vst v63  }
0x88: {  	_ =	swait.ge [sflag:s7], $0x4000  }
0x89: {  	[sflag:s7] =	ssyncset.done $0x0  }
0x8a: {  	s0 =	simm.s32 $0x1700;
	[sflag:s7] =	ssyncadd.s32 $0xFFFFC000  }
0x8b: {  	[tilespmem:s3], [sflag:$0x3] =	stream.indirect.gather [spmem:s2], $0x80, s0, s11, $0xb8;
	[tilespmem:$0x11780] =	vst v63  }
0x8c: {  	_ =	swait.ge [sflag:s15], $0x4000  }
0x8d: {  	[sflag:s15] =	ssyncset.done $0x0  }
0x8e: {  	s0 =	rddreg [dreg:$0x12];
	[sflag:s15] =	ssyncadd.s32 $0xFFFFC000  }
0x8f: {  	[hbm4b:s0+s1] =	stream.linear.scatter [tilespmem:s14], [sflag:$0x8], $0x4000, $0x38;
	[tilespmem:$0x11780] =	vst v63  }
0x90: {  	_ =	swait.ge [sflag:s13], $0x4000  }
0x91: {  	[sflag:s13] =	ssyncset.done $0x0  }
0x92: {  	s0 =	rddreg [dreg:$0x13];
	[sflag:s13] =	ssyncadd.s32 $0xFFFFC000  }
0x93: {  	[hbm4b:s0+s1] =	stream.linear.scatter [tilespmem:s9], [sflag:$0x5], $0x4000, $0x38;
	[tilespmem:$0x11780] =	vst v63  }
0x94: {  	_ =	swait.ge [sflag:s12], $0x4000  }
0x95: {  	[sflag:s12] =	ssyncset.done $0x0  }
0x96: {  	s0 =	rddreg [dreg:$0x14];
	[sflag:s12] =	ssyncadd.s32 $0xFFFFC000  }
0x97: {  	[hbm4b:s0+s1] =	stream.linear.scatter [tilespmem:s5], [sflag:$0x6], $0x4000, $0x38;
	[tilespmem:$0x11780] =	vst v63  }
0x98: {  	_ =	swait.ge [sflag:s10], $0x4000  }
0x99: {  	[sflag:s10] =	ssyncset.done $0x0  }
0x9a: {  	s0 =	rddreg [dreg:$0x15];
	[sflag:s10] =	ssyncadd.s32 $0xFFFFC000  }
0x9b: {  	[hbm4b:s0+s1] =	stream.linear.scatter [tilespmem:s3], [sflag:$0x7], $0x4000, $0x38;
	[tilespmem:$0x11780] =	vst v63  }
0x9c: {  	_ =	swait.ge [sflag:s4], $0x4000  }
0x9d: {  	[sflag:s4] =	ssyncset.done $0x0  }
0x9e: {  	[sflag:s4] =	ssyncadd.s32 $0xFFFFC000  }
0x9f: {  	_ =	swait.ge [sflag:s6], $0x4000  }
0xa0: {  	s31 =	sadd.s32 $0xFFFFFFFF, s16;
	[sflag:s6] =	ssyncset.done $0x0  }
0xa1: {  	p2 =	sne.s32 s31, $0x0;
	[sflag:s6] =	ssyncadd.s32 $0xFFFFC000  }
.Ltmp1:
0xa2: {  	_ =	swait.ge [sflag:s7], $0x4000;
	(pc) =	sbr.rel @!p2 .LBB2_3-.Ltmp1, $4  }
0xa3: {  	[sflag:s7] =	ssyncset.done $0x0  }
0xa4: {  	[sflag:s7] =	ssyncadd.s32 $0xFFFFC000  }
0xa5: {  	_ =	swait.ge [sflag:s8], $0x4000  }
0xa6: {  	p1 =	por $0x1, $0x1;
	s0 =	rddreg [dreg:$0x16];
	[sflag:s8] =	ssyncset.done $0x0  }
.LBB2_4:
0xa7: {  	s16 =	rddreg [dreg:$0x5];
	[sflag:s8] =	ssyncadd.s32 $0xFFFFC000  }
0xa8: {  	[spmem:s0], [sflag:s29] =	dma.local @!p0 [hbm:s16], $0x2000  }
0xa9: {  	_ =	swait.ge @!p0 [sflag:s30], $0x2000  }
0xaa: {  	[sflag:s30] =	ssyncset.done @!p0 $0x0  }
0xab: {  	s16 =	rddreg [dreg:$0x6];
	[sflag:s30] =	ssyncadd.s32 @!p0 $0xFFFFE000  }
0xac: {  	[tilespmem:s26], [sflag:$0x9] =	stream.linear.gather [hbm4b:s16+s1], $0x780, $0x38;
	[tilespmem:$0x11780] =	vst v63  }
0xad: {  	_ =	swait.ge [sflag:s28], $0x780  }
0xae: {  	[sflag:s28] =	ssyncset.done $0x0  }
0xaf: {  	[sflag:s28] =	ssyncadd.s32 $0xFFFFF880  }
0xb0: {  	[bflag:$0x0] =	sbarrier.arrive $0xFFFF  }
0xb1: {  	[tilespmem:s9], [sflag:$0x1] =	stream.indirect.gather [spmem:s2], $0x80, s26, s11, $0xb8;
	[tilespmem:$0x11780] =	vst v63  }
0xb2: {  	s0 =	rddreg [dreg:$0x17]  }
0xb3: {  	[tilespmem:s5], [sflag:$0x2] =	stream.indirect.gather [spmem:s2], $0x80, s0, s11, $0xb8;
	[tilespmem:$0x11780] =	vst v63  }
0xb4: {  	s16 =	rddreg [dreg:$0x18]  }
0xb5: {  	[tilespmem:s3], [sflag:$0x3] =	stream.indirect.gather [spmem:s2], $0x80, s16, s11, $0xb8;
	[tilespmem:$0x11780] =	vst v63  }
0xb6: {  	s0 =	rddreg [dreg:$0x19]  }
0xb7: {  	[tilespmem:s14], [sflag:$0x4] =	stream.indirect.gather [spmem:s2], $0x80, s0, s11, $0xb8;
	[tilespmem:$0x11780] =	vst v63  }
0xb8: {  	_ =	swait.ge [sflag:s13], $0x4000  }
0xb9: {  	[sflag:s13] =	ssyncset.done $0x0  }
0xba: {  	s0 =	rddreg [dreg:$0x7];
	[sflag:s13] =	ssyncadd.s32 $0xFFFFC000  }
0xbb: {  	[hbm4b:s0+s1] =	stream.linear.scatter [tilespmem:s9], [sflag:$0x5], $0x4000, $0x38;
	[tilespmem:$0x11780] =	vst v63  }
0xbc: {  	_ =	swait.ge [sflag:s4], $0x4000  }
0xbd: {  	[sflag:s4] =	ssyncset.done $0x0  }
0xbe: {  	s0 =	rddreg [dreg:$0x1a];
	[sflag:s4] =	ssyncadd.s32 $0xFFFFC000  }
0xbf: {  	[tilespmem:s9], [sflag:$0x1] =	stream.indirect.gather [spmem:s2], $0x80, s0, s11, $0xb8;
	[tilespmem:$0x11780] =	vst v63  }
0xc0: {  	_ =	swait.ge [sflag:s12], $0x4000  }
0xc1: {  	[sflag:s12] =	ssyncset.done $0x0  }
0xc2: {  	s0 =	rddreg [dreg:$0x8];
	[sflag:s12] =	ssyncadd.s32 $0xFFFFC000  }
0xc3: {  	[hbm4b:s0+s1] =	stream.linear.scatter [tilespmem:s5], [sflag:$0x6], $0x4000, $0x38;
	[tilespmem:$0x11780] =	vst v63  }
0xc4: {  	_ =	swait.ge [sflag:s6], $0x4000  }
0xc5: {  	[sflag:s6] =	ssyncset.done $0x0  }
0xc6: {  	[sflag:s6] =	ssyncadd.s32 $0xFFFFC000  }
0xc7: {  	[tilespmem:s5], [sflag:$0x2] =	stream.indirect.gather [spmem:s2], $0x80, s25, s11, $0xb8;
	[tilespmem:$0x11780] =	vst v63  }
0xc8: {  	_ =	swait.ge [sflag:s10], $0x4000  }
0xc9: {  	[sflag:s10] =	ssyncset.done $0x0  }
0xca: {  	s0 =	rddreg [dreg:$0x9];
	[sflag:s10] =	ssyncadd.s32 $0xFFFFC000  }
0xcb: {  	[hbm4b:s0+s1] =	stream.linear.scatter [tilespmem:s3], [sflag:$0x7], $0x4000, $0x38;
	[tilespmem:$0x11780] =	vst v63  }
0xcc: {  	_ =	swait.ge [sflag:s7], $0x4000  }
0xcd: {  	[sflag:s7] =	ssyncset.done $0x0  }
0xce: {  	[sflag:s7] =	ssyncadd.s32 $0xFFFFC000  }
0xcf: {  	[tilespmem:s3], [sflag:$0x3] =	stream.indirect.gather [spmem:s2], $0x80, s24, s11, $0xb8;
	[tilespmem:$0x11780] =	vst v63  }
0xd0: {  	_ =	swait.ge [sflag:s15], $0x4000  }
0xd1: {  	[sflag:s15] =	ssyncset.done $0x0  }
0xd2: {  	s0 =	rddreg [dreg:$0xa];
	[sflag:s15] =	ssyncadd.s32 $0xFFFFC000  }
0xd3: {  	[hbm4b:s0+s1] =	stream.linear.scatter [tilespmem:s14], [sflag:$0x8], $0x4000, $0x38;
	[tilespmem:$0x11780] =	vst v63  }
0xd4: {  	_ =	swait.ge [sflag:s8], $0x4000  }
0xd5: {  	[sflag:s8] =	ssyncset.done $0x0  }
0xd6: {  	[sflag:s8] =	ssyncadd.s32 $0xFFFFC000  }
0xd7: {  	[tilespmem:s14], [sflag:$0x4] =	stream.indirect.gather [spmem:s2], $0x80, s23, s11, $0xb8;
	[tilespmem:$0x11780] =	vst v63  }
0xd8: {  	_ =	swait.ge [sflag:s13], $0x4000  }
0xd9: {  	[sflag:s13] =	ssyncset.done $0x0  }
0xda: {  	s0 =	rddreg [dreg:$0xb];
	[sflag:s13] =	ssyncadd.s32 $0xFFFFC000  }
0xdb: {  	[hbm4b:s0+s1] =	stream.linear.scatter [tilespmem:s9], [sflag:$0x5], $0x4000, $0x38;
	[tilespmem:$0x11780] =	vst v63  }
0xdc: {  	_ =	swait.ge [sflag:s4], $0x4000  }
0xdd: {  	[sflag:s4] =	ssyncset.done $0x0  }
0xde: {  	[sflag:s4] =	ssyncadd.s32 $0xFFFFC000  }
0xdf: {  	[tilespmem:s9], [sflag:$0x1] =	stream.indirect.gather [spmem:s2], $0x80, s22, s11, $0xb8;
	[tilespmem:$0x11780] =	vst v63  }
0xe0: {  	_ =	swait.ge [sflag:s12], $0x4000  }
0xe1: {  	[sflag:s12] =	ssyncset.done $0x0  }
0xe2: {  	s0 =	rddreg [dreg:$0xc];
	[sflag:s12] =	ssyncadd.s32 $0xFFFFC000  }
0xe3: {  	[hbm4b:s0+s1] =	stream.linear.scatter [tilespmem:s5], [sflag:$0x6], $0x4000, $0x38;
	[tilespmem:$0x11780] =	vst v63  }
0xe4: {  	_ =	swait.ge [sflag:s6], $0x4000  }
0xe5: {  	[sflag:s6] =	ssyncset.done $0x0  }
0xe6: {  	[sflag:s6] =	ssyncadd.s32 $0xFFFFC000  }
0xe7: {  	[tilespmem:s5], [sflag:$0x2] =	stream.indirect.gather [spmem:s2], $0x80, s21, s11, $0xb8;
	[tilespmem:$0x11780] =	vst v63  }
0xe8: {  	_ =	swait.ge [sflag:s10], $0x4000  }
0xe9: {  	[sflag:s10] =	ssyncset.done $0x0  }
0xea: {  	s0 =	rddreg [dreg:$0xd];
	[sflag:s10] =	ssyncadd.s32 $0xFFFFC000  }
0xeb: {  	[hbm4b:s0+s1] =	stream.linear.scatter [tilespmem:s3], [sflag:$0x7], $0x4000, $0x38;
	[tilespmem:$0x11780] =	vst v63  }
0xec: {  	_ =	swait.ge [sflag:s7], $0x4000  }
0xed: {  	[sflag:s7] =	ssyncset.done $0x0  }
0xee: {  	[sflag:s7] =	ssyncadd.s32 $0xFFFFC000  }
0xef: {  	[tilespmem:s3], [sflag:$0x3] =	stream.indirect.gather [spmem:s2], $0x80, s20, s11, $0xb8;
	[tilespmem:$0x11780] =	vst v63  }
0xf0: {  	_ =	swait.ge [sflag:s15], $0x4000  }
0xf1: {  	[sflag:s15] =	ssyncset.done $0x0  }
0xf2: {  	s0 =	rddreg [dreg:$0xe];
	[sflag:s15] =	ssyncadd.s32 $0xFFFFC000  }
0xf3: {  	[hbm4b:s0+s1] =	stream.linear.scatter [tilespmem:s14], [sflag:$0x8], $0x4000, $0x38;
	[tilespmem:$0x11780] =	vst v63  }
0xf4: {  	_ =	swait.ge [sflag:s8], $0x4000  }
0xf5: {  	[sflag:s8] =	ssyncset.done $0x0  }
0xf6: {  	[sflag:s8] =	ssyncadd.s32 $0xFFFFC000  }
0xf7: {  	[tilespmem:s14], [sflag:$0x4] =	stream.indirect.gather [spmem:s2], $0x80, s19, s11, $0xb8;
	[tilespmem:$0x11780] =	vst v63  }
0xf8: {  	_ =	swait.ge [sflag:s13], $0x4000  }
0xf9: {  	[sflag:s13] =	ssyncset.done $0x0  }
0xfa: {  	s0 =	rddreg [dreg:$0xf];
	[sflag:s13] =	ssyncadd.s32 $0xFFFFC000  }
0xfb: {  	[hbm4b:s0+s1] =	stream.linear.scatter [tilespmem:s9], [sflag:$0x5], $0x4000, $0x38;
	[tilespmem:$0x11780] =	vst v63  }
0xfc: {  	_ =	swait.ge [sflag:s4], $0x4000  }
0xfd: {  	[sflag:s4] =	ssyncset.done $0x0  }
0xfe: {  	[sflag:s4] =	ssyncadd.s32 $0xFFFFC000  }
0xff: {  	[tilespmem:s9], [sflag:$0x1] =	stream.indirect.gather [spmem:s2], $0x80, s18, s11, $0xb8;
	[tilespmem:$0x11780] =	vst v63  }
0x100: {  	_ =	swait.ge [sflag:s12], $0x4000  }
0x101: {  	[sflag:s12] =	ssyncset.done $0x0  }
0x102: {  	s0 =	rddreg [dreg:$0x10];
	[sflag:s12] =	ssyncadd.s32 $0xFFFFC000  }
0x103: {  	[hbm4b:s0+s1] =	stream.linear.scatter [tilespmem:s5], [sflag:$0x6], $0x4000, $0x38;
	[tilespmem:$0x11780] =	vst v63  }
0x104: {  	_ =	swait.ge [sflag:s6], $0x4000  }
0x105: {  	[sflag:s6] =	ssyncset.done $0x0  }
0x106: {  	[sflag:s6] =	ssyncadd.s32 $0xFFFFC000  }
0x107: {  	[tilespmem:s5], [sflag:$0x2] =	stream.indirect.gather [spmem:s2], $0x80, s17, s11, $0xb8;
	[tilespmem:$0x11780] =	vst v63  }
0x108: {  	_ =	swait.ge [sflag:s10], $0x4000  }
0x109: {  	[sflag:s10] =	ssyncset.done $0x0  }
0x10a: {  	s0 =	rddreg [dreg:$0x11];
	[sflag:s10] =	ssyncadd.s32 $0xFFFFC000  }
0x10b: {  	[hbm4b:s0+s1] =	stream.linear.scatter [tilespmem:s3], [sflag:$0x7], $0x4000, $0x38;
	[tilespmem:$0x11780] =	vst v63  }
0x10c: {  	_ =	swait.ge [sflag:s7], $0x4000  }
0x10d: {  	[sflag:s7] =	ssyncset.done $0x0  }
0x10e: {  	s16 =	simm.s32 $0x1700;
	[sflag:s7] =	ssyncadd.s32 $0xFFFFC000  }
0x10f: {  	[tilespmem:s3], [sflag:$0x3] =	stream.indirect.gather [spmem:s2], $0x80, s16, s11, $0xb8;
	[tilespmem:$0x11780] =	vst v63  }
0x110: {  	_ =	swait.ge [sflag:s15], $0x4000  }
0x111: {  	[sflag:s15] =	ssyncset.done $0x0  }
0x112: {  	s16 =	rddreg [dreg:$0x12];
	[sflag:s15] =	ssyncadd.s32 $0xFFFFC000  }
0x113: {  	[hbm4b:s16+s1] =	stream.linear.scatter [tilespmem:s14], [sflag:$0x8], $0x4000, $0x38;
	[tilespmem:$0x11780] =	vst v63  }
0x114: {  	_ =	swait.ge [sflag:s13], $0x4000  }
0x115: {  	[sflag:s13] =	ssyncset.done $0x0  }
0x116: {  	s16 =	rddreg [dreg:$0x13];
	[sflag:s13] =	ssyncadd.s32 $0xFFFFC000  }
0x117: {  	[hbm4b:s16+s1] =	stream.linear.scatter [tilespmem:s9], [sflag:$0x5], $0x4000, $0x38;
	[tilespmem:$0x11780] =	vst v63  }
0x118: {  	_ =	swait.ge [sflag:s12], $0x4000  }
0x119: {  	[sflag:s12] =	ssyncset.done $0x0  }
0x11a: {  	s16 =	rddreg [dreg:$0x14];
	[sflag:s12] =	ssyncadd.s32 $0xFFFFC000  }
0x11b: {  	[hbm4b:s16+s1] =	stream.linear.scatter [tilespmem:s5], [sflag:$0x6], $0x4000, $0x38;
	[tilespmem:$0x11780] =	vst v63  }
0x11c: {  	_ =	swait.ge [sflag:s10], $0x4000  }
0x11d: {  	[sflag:s10] =	ssyncset.done $0x0  }
0x11e: {  	s16 =	rddreg [dreg:$0x15];
	[sflag:s10] =	ssyncadd.s32 $0xFFFFC000  }
0x11f: {  	[hbm4b:s16+s1] =	stream.linear.scatter [tilespmem:s3], [sflag:$0x7], $0x4000, $0x38;
	[tilespmem:$0x11780] =	vst v63  }
0x120: {  	_ =	swait.ge [sflag:s4], $0x4000  }
0x121: {  	[sflag:s4] =	ssyncset.done $0x0  }
0x122: {  	[sflag:s4] =	ssyncadd.s32 $0xFFFFC000  }
0x123: {  	_ =	swait.ge [sflag:s6], $0x4000  }
0x124: {  	s31 =	sadd.s32 $0xFFFFFFFF, s31;
	[sflag:s6] =	ssyncset.done $0x0  }
0x125: {  	p2 =	sne.s32 s31, $0x0;
	[sflag:s6] =	ssyncadd.s32 $0xFFFFC000  }
.Ltmp2:
0x126: {  	_ =	swait.ge [sflag:s7], $0x4000;
	(pc) =	sbr.rel @p2 .LBB2_4-.Ltmp2, $4  }
0x127: {  	[sflag:s7] =	ssyncset.done $0x0  }
0x128: {  	[sflag:s7] =	ssyncadd.s32 $0xFFFFC000  }
0x129: {  	_ =	swait.ge [sflag:s8], $0x4000  }
0x12a: {  	s0 =	rddreg [dreg:$0x16];
	[sflag:s8] =	ssyncset.done $0x0  }
0x12b: {  	s31 =	simm.s32 $0x1700;
	s30 =	rddreg [dreg:$0x4]  }
.LBB2_6:
0x12c: {  	s16 =	rddreg [dreg:$0x5];
	[sflag:s8] =	ssyncadd.s32 @p1 $0xFFFFC000;
	s29 =	simm.s32 @!p0 $0x1C09  }
0x12d: {  	[spmem:s0], [sflag:s29] =	dma.local @!p0 [hbm:s16], $0x2000  }
0x12e: {  	s0 =	simm.s32 @!p0 $0x9  }
0x12f: {  	_ =	swait.ge @!p0 [sflag:s0], $0x2000  }
0x130: {  	[sflag:s0] =	ssyncset.done @!p0 $0x0  }
0x131: {  	s29 =	rddreg [dreg:$0x6];
	[sflag:s0] =	ssyncadd.s32 @!p0 $0xFFFFE000  }
0x132: {  	[tilespmem:s26], [sflag:$0x9] =	stream.linear.gather [hbm4b:s29+s1], $0x780, $0x38;
	[tilespmem:$0x11780] =	vst v63  }
0x133: {  	_ =	swait.ge [sflag:s28], $0x780  }
0x134: {  	[sflag:s28] =	ssyncset.done $0x0  }
0x135: {  	[sflag:s28] =	ssyncadd.s32 $0xFFFFF880  }
0x136: {  	[bflag:$0x0] =	sbarrier.arrive $0xFFFF  }
0x137: {  	[tilespmem:s9], [sflag:$0x1] =	stream.indirect.gather [spmem:s2], $0x80, s26, s11, $0xb8;
	[tilespmem:$0x11780] =	vst v63  }
0x138: {  	s28 =	rddreg [dreg:$0x17]  }
0x139: {  	[tilespmem:s5], [sflag:$0x2] =	stream.indirect.gather [spmem:s2], $0x80, s28, s11, $0xb8;
	[tilespmem:$0x11780] =	vst v63  }
0x13a: {  	s29 =	rddreg [dreg:$0x18]  }
0x13b: {  	[tilespmem:s3], [sflag:$0x3] =	stream.indirect.gather [spmem:s2], $0x80, s29, s11, $0xb8;
	[tilespmem:$0x11780] =	vst v63  }
0x13c: {  	s26 =	rddreg [dreg:$0x19]  }
0x13d: {  	[tilespmem:s14], [sflag:$0x4] =	stream.indirect.gather [spmem:s2], $0x80, s26, s11, $0xb8;
	[tilespmem:$0x11780] =	vst v63  }
0x13e: {  	_ =	swait.ge [sflag:s13], $0x4000  }
0x13f: {  	[sflag:s13] =	ssyncset.done $0x0  }
0x140: {  	s28 =	rddreg [dreg:$0x7];
	[sflag:s13] =	ssyncadd.s32 $0xFFFFC000  }
0x141: {  	[hbm4b:s28+s1] =	stream.linear.scatter [tilespmem:s9], [sflag:$0x5], $0x4000, $0x38;
	[tilespmem:$0x11780] =	vst v63  }
0x142: {  	_ =	swait.ge [sflag:s4], $0x4000  }
0x143: {  	[sflag:s4] =	ssyncset.done $0x0  }
0x144: {  	s29 =	rddreg [dreg:$0x1a];
	[sflag:s4] =	ssyncadd.s32 $0xFFFFC000  }
0x145: {  	[tilespmem:s9], [sflag:$0x1] =	stream.indirect.gather [spmem:s2], $0x80, s29, s11, $0xb8;
	[tilespmem:$0x11780] =	vst v63  }
0x146: {  	_ =	swait.ge [sflag:s12], $0x4000  }
0x147: {  	[sflag:s12] =	ssyncset.done $0x0  }
0x148: {  	s16 =	rddreg [dreg:$0x8];
	[sflag:s12] =	ssyncadd.s32 $0xFFFFC000  }
0x149: {  	[hbm4b:s16+s1] =	stream.linear.scatter [tilespmem:s5], [sflag:$0x6], $0x4000, $0x38;
	[tilespmem:$0x11780] =	vst v63  }
0x14a: {  	_ =	swait.ge [sflag:s6], $0x4000  }
0x14b: {  	[sflag:s6] =	ssyncset.done $0x0  }
0x14c: {  	[sflag:s6] =	ssyncadd.s32 $0xFFFFC000  }
0x14d: {  	[tilespmem:s5], [sflag:$0x2] =	stream.indirect.gather [spmem:s2], $0x80, s25, s11, $0xb8;
	[tilespmem:$0x11780] =	vst v63  }
0x14e: {  	_ =	swait.ge [sflag:s10], $0x4000  }
0x14f: {  	[sflag:s10] =	ssyncset.done $0x0  }
0x150: {  	s26 =	rddreg [dreg:$0x9];
	[sflag:s10] =	ssyncadd.s32 $0xFFFFC000  }
0x151: {  	[hbm4b:s26+s1] =	stream.linear.scatter [tilespmem:s3], [sflag:$0x7], $0x4000, $0x38;
	[tilespmem:$0x11780] =	vst v63  }
0x152: {  	_ =	swait.ge [sflag:s7], $0x4000  }
0x153: {  	[sflag:s7] =	ssyncset.done $0x0  }
0x154: {  	[sflag:s7] =	ssyncadd.s32 $0xFFFFC000  }
0x155: {  	[tilespmem:s3], [sflag:$0x3] =	stream.indirect.gather [spmem:s2], $0x80, s24, s11, $0xb8;
	[tilespmem:$0x11780] =	vst v63  }
0x156: {  	_ =	swait.ge [sflag:s15], $0x4000  }
0x157: {  	[sflag:s15] =	ssyncset.done $0x0  }
0x158: {  	s28 =	rddreg [dreg:$0xa];
	[sflag:s15] =	ssyncadd.s32 $0xFFFFC000  }
0x159: {  	[hbm4b:s28+s1] =	stream.linear.scatter [tilespmem:s14], [sflag:$0x8], $0x4000, $0x38;
	[tilespmem:$0x11780] =	vst v63  }
0x15a: {  	_ =	swait.ge [sflag:s8], $0x4000  }
0x15b: {  	[sflag:s8] =	ssyncset.done $0x0  }
0x15c: {  	[sflag:s8] =	ssyncadd.s32 $0xFFFFC000  }
0x15d: {  	[tilespmem:s14], [sflag:$0x4] =	stream.indirect.gather [spmem:s2], $0x80, s23, s11, $0xb8;
	[tilespmem:$0x11780] =	vst v63  }
0x15e: {  	_ =	swait.ge [sflag:s13], $0x4000  }
0x15f: {  	[sflag:s13] =	ssyncset.done $0x0  }
0x160: {  	s29 =	rddreg [dreg:$0xb];
	[sflag:s13] =	ssyncadd.s32 $0xFFFFC000  }
0x161: {  	[hbm4b:s29+s1] =	stream.linear.scatter [tilespmem:s9], [sflag:$0x5], $0x4000, $0x38;
	[tilespmem:$0x11780] =	vst v63  }
0x162: {  	_ =	swait.ge [sflag:s4], $0x4000  }
0x163: {  	[sflag:s4] =	ssyncset.done $0x0  }
0x164: {  	[sflag:s4] =	ssyncadd.s32 $0xFFFFC000  }
0x165: {  	[tilespmem:s9], [sflag:$0x1] =	stream.indirect.gather [spmem:s2], $0x80, s22, s11, $0xb8;
	[tilespmem:$0x11780] =	vst v63  }
0x166: {  	_ =	swait.ge [sflag:s12], $0x4000  }
0x167: {  	[sflag:s12] =	ssyncset.done $0x0  }
0x168: {  	s16 =	rddreg [dreg:$0xc];
	[sflag:s12] =	ssyncadd.s32 $0xFFFFC000  }
0x169: {  	[hbm4b:s16+s1] =	stream.linear.scatter [tilespmem:s5], [sflag:$0x6], $0x4000, $0x38;
	[tilespmem:$0x11780] =	vst v63  }
0x16a: {  	_ =	swait.ge [sflag:s6], $0x4000  }
0x16b: {  	[sflag:s6] =	ssyncset.done $0x0  }
0x16c: {  	[sflag:s6] =	ssyncadd.s32 $0xFFFFC000  }
0x16d: {  	[tilespmem:s5], [sflag:$0x2] =	stream.indirect.gather [spmem:s2], $0x80, s21, s11, $0xb8;
	[tilespmem:$0x11780] =	vst v63  }
0x16e: {  	_ =	swait.ge [sflag:s10], $0x4000  }
0x16f: {  	[sflag:s10] =	ssyncset.done $0x0  }
0x170: {  	s21 =	rddreg [dreg:$0xd];
	[sflag:s10] =	ssyncadd.s32 $0xFFFFC000  }
0x171: {  	[hbm4b:s21+s1] =	stream.linear.scatter [tilespmem:s3], [sflag:$0x7], $0x4000, $0x38;
	[tilespmem:$0x11780] =	vst v63  }
0x172: {  	_ =	swait.ge [sflag:s7], $0x4000  }
0x173: {  	[sflag:s7] =	ssyncset.done $0x0  }
0x174: {  	[sflag:s7] =	ssyncadd.s32 $0xFFFFC000  }
0x175: {  	[tilespmem:s3], [sflag:$0x3] =	stream.indirect.gather [spmem:s2], $0x80, s20, s11, $0xb8;
	[tilespmem:$0x11780] =	vst v63  }
0x176: {  	_ =	swait.ge [sflag:s15], $0x4000  }
0x177: {  	[sflag:s15] =	ssyncset.done $0x0  }
0x178: {  	s22 =	rddreg [dreg:$0xe];
	[sflag:s15] =	ssyncadd.s32 $0xFFFFC000  }
0x179: {  	[hbm4b:s22+s1] =	stream.linear.scatter [tilespmem:s14], [sflag:$0x8], $0x4000, $0x38;
	[tilespmem:$0x11780] =	vst v63  }
0x17a: {  	_ =	swait.ge [sflag:s8], $0x4000  }
0x17b: {  	[sflag:s8] =	ssyncset.done $0x0  }
0x17c: {  	[sflag:s8] =	ssyncadd.s32 $0xFFFFC000  }
0x17d: {  	[tilespmem:s14], [sflag:$0x4] =	stream.indirect.gather [spmem:s2], $0x80, s19, s11, $0xb8;
	[tilespmem:$0x11780] =	vst v63  }
0x17e: {  	_ =	swait.ge [sflag:s13], $0x4000  }
0x17f: {  	[sflag:s13] =	ssyncset.done $0x0  }
0x180: {  	s23 =	rddreg [dreg:$0xf];
	[sflag:s13] =	ssyncadd.s32 $0xFFFFC000  }
0x181: {  	[hbm4b:s23+s1] =	stream.linear.scatter [tilespmem:s9], [sflag:$0x5], $0x4000, $0x38;
	[tilespmem:$0x11780] =	vst v63  }
0x182: {  	_ =	swait.ge [sflag:s4], $0x4000  }
0x183: {  	[sflag:s4] =	ssyncset.done $0x0  }
0x184: {  	[sflag:s4] =	ssyncadd.s32 $0xFFFFC000  }
0x185: {  	[tilespmem:s9], [sflag:$0x1] =	stream.indirect.gather [spmem:s2], $0x80, s18, s11, $0xb8;
	[tilespmem:$0x11780] =	vst v63  }
0x186: {  	_ =	swait.ge [sflag:s12], $0x4000  }
0x187: {  	[sflag:s12] =	ssyncset.done $0x0  }
0x188: {  	s24 =	rddreg [dreg:$0x10];
	[sflag:s12] =	ssyncadd.s32 $0xFFFFC000  }
0x189: {  	[hbm4b:s24+s1] =	stream.linear.scatter [tilespmem:s5], [sflag:$0x6], $0x4000, $0x38;
	[tilespmem:$0x11780] =	vst v63  }
0x18a: {  	_ =	swait.ge [sflag:s6], $0x4000  }
0x18b: {  	[sflag:s6] =	ssyncset.done $0x0  }
0x18c: {  	[sflag:s6] =	ssyncadd.s32 $0xFFFFC000  }
0x18d: {  	[tilespmem:s5], [sflag:$0x2] =	stream.indirect.gather [spmem:s2], $0x80, s17, s11, $0xb8;
	[tilespmem:$0x11780] =	vst v63  }
0x18e: {  	_ =	swait.ge [sflag:s10], $0x4000  }
0x18f: {  	[sflag:s10] =	ssyncset.done $0x0  }
0x190: {  	s25 =	rddreg [dreg:$0x11];
	[sflag:s10] =	ssyncadd.s32 $0xFFFFC000  }
0x191: {  	[hbm4b:s25+s1] =	stream.linear.scatter [tilespmem:s3], [sflag:$0x7], $0x4000, $0x38;
	[tilespmem:$0x11780] =	vst v63  }
0x192: {  	_ =	swait.ge [sflag:s7], $0x4000  }
0x193: {  	[sflag:s7] =	ssyncset.done $0x0  }
0x194: {  	[sflag:s7] =	ssyncadd.s32 $0xFFFFC000  }
0x195: {  	[tilespmem:s3], [sflag:$0x3] =	stream.indirect.gather [spmem:s2], $0x80, s31, s11, $0xb8;
	[tilespmem:$0x11780] =	vst v63  }
0x196: {  	_ =	swait.ge [sflag:s15], $0x4000  }
0x197: {  	[sflag:s15] =	ssyncset.done $0x0  }
0x198: {  	s26 =	rddreg [dreg:$0x12];
	[sflag:s15] =	ssyncadd.s32 $0xFFFFC000  }
0x199: {  	[hbm4b:s26+s1] =	stream.linear.scatter [tilespmem:s14], [sflag:$0x8], $0x4000, $0x38;
	[tilespmem:$0x11780] =	vst v63  }
0x19a: {  	_ =	swait.ge [sflag:s13], $0x4000  }
0x19b: {  	[sflag:s13] =	ssyncset.done $0x0  }
0x19c: {  	s28 =	rddreg [dreg:$0x13];
	[sflag:s13] =	ssyncadd.s32 $0xFFFFC000  }
0x19d: {  	[hbm4b:s28+s1] =	stream.linear.scatter [tilespmem:s9], [sflag:$0x5], $0x4000, $0x38;
	[tilespmem:$0x11780] =	vst v63  }
0x19e: {  	_ =	swait.ge [sflag:s12], $0x4000  }
0x19f: {  	[sflag:s12] =	ssyncset.done $0x0  }
0x1a0: {  	s29 =	rddreg [dreg:$0x14];
	[sflag:s12] =	ssyncadd.s32 $0xFFFFC000  }
0x1a1: {  	[hbm4b:s29+s1] =	stream.linear.scatter [tilespmem:s5], [sflag:$0x6], $0x4000, $0x38;
	[tilespmem:$0x11780] =	vst v63  }
0x1a2: {  	_ =	swait.ge [sflag:s10], $0x4000  }
0x1a3: {  	[sflag:s10] =	ssyncset.done $0x0  }
0x1a4: {  	s31 =	rddreg [dreg:$0x15];
	[sflag:s10] =	ssyncadd.s32 $0xFFFFC000  }
0x1a5: {  	[hbm4b:s31+s1] =	stream.linear.scatter [tilespmem:s3], [sflag:$0x7], $0x4000, $0x38;
	[tilespmem:$0x11780] =	vst v63  }
0x1a6: {  	_ =	swait.ge [sflag:s4], $0x4000  }
0x1a7: {  	[sflag:s4] =	ssyncset.done $0x0  }
0x1a8: {  	[sflag:s4] =	ssyncadd.s32 $0xFFFFC000  }
0x1a9: {  	_ =	swait.ge [sflag:s6], $0x4000  }
0x1aa: {  	[sflag:s6] =	ssyncset.done $0x0  }
0x1ab: {  	[sflag:s6] =	ssyncadd.s32 $0xFFFFC000  }
0x1ac: {  	_ =	swait.ge [sflag:s7], $0x4000  }
0x1ad: {  	[sflag:s7] =	ssyncset.done $0x0  }
0x1ae: {  	[sflag:s7] =	ssyncadd.s32 $0xFFFFC000  }
0x1af: {  	_ =	swait.ge [sflag:s8], $0x4000  }
0x1b0: {  	[sflag:s8] =	ssyncset.done $0x0  }
0x1b1: {  	[sflag:s8] =	ssyncadd.s32 $0xFFFFC000  }
0x1b2: {  	_ =	sfence.sel $0x180000  }
0x1b3: {  	[bflag:$0x0] =	sbarrier.arrive $0xFFFF  }
0x1b4: {  	_ =	strace $0x90000047  }
0x1b5: {  	s0 =	sadd.s32 @!p0 $0x100000, s30;
	[bflag:$0x2] =	sbarrier.arrive $0xFFFF  }
0x1b6: {  	[sflag:s0] =	ssyncadd.tile.s32 @!p0 $0x1;
	_ =	shalt  }
.LBB2_1:
.Ltmp3:
0x1b7: {  	(pc) =	sbr.rel .LBB2_6-.Ltmp3, $2  }
0x1b8: {  	_ =	sdelay $0x2  }
0x1b9: {  	s31 =	simm.s32 $0x1700  }
.LBB2_3:
.Ltmp4:
0x1ba: {  	(pc) =	sbr.rel .LBB2_6-.Ltmp4, $2  }
0x1bb: {  	_ =	sdelay $0x2  }
0x1bc: {  	s31 =	simm.s32 $0x1700;
	s30 =	rddreg [dreg:$0x4]  }
.Lfunc_end2:
_tile_overlayer_lowered:
.L_overlay_start_2:
0x1bd: {  	(tag) =	ssettag $0x2  }
0x1be: {  	s0 =	rddreg [dreg:$0x0];
	s2 =	stileid.u32  }
0x1bf: {  	s1 =	rddreg [dreg:$0x1];
	p0 =	sne.s32 s2, $0x0  }
0x1c0: {  	s3 =	rddreg [dreg:$0x2];
	[bflag:$0x3] =	sbarrier.arrive $0xFFFF;
	s2 =	simm.s32 @!p0 $0x1C09  }
0x1c1: {  	[timem:s3], [sflag:s2] =	dma.local @!p0 [hbm:s0], s1  }
0x1c2: {  	s0 =	simm.s32 @!p0 $0x9  }
0x1c3: {  	_ =	swait.ge @!p0 [sflag:s0], s1  }
0x1c4: {  	s1 =	ssub.s32 @!p0 $0x0, s1;
	[sflag:s0] =	ssyncset.done @!p0 $0x0  }
0x1c5: {  	[sflag:s0] =	ssyncadd.s32 @!p0 s1  }
0x1c6: {  	[bflag:$0x3] =	sbarrier.arrive $0xFFFF  }
0x1c7: {  	_ =	shalt  }

</sc_bundles>
